<compile_context>
chip_gen: v7x
topology: tpu7x:2x2x1
jax: 0.10.2.dev20260603
libtpu: 0.0.44.dev20260713+nightly
codegen_flags: <defaults>
</compile_context>

<pallas_src>
import functools

import jax
import jax.numpy as jnp
from jax import lax
from jax.experimental import pallas as pl
from jax.experimental.pallas import tpu as pltpu
from jax.experimental.pallas import tpu_sc as plsc

_L = 16
_NBUF = 4
_UNROLL = 4


@functools.lru_cache(maxsize=None)
def _build_fm(B, F, D, V, NC, NS):
    NW = NC * NS
    RPW = B // NW
    FP = ((F + _L - 1) // _L) * _L
    NJ = D // _L
    CH = ((V + NS - 1) // NS + 7) // 8 * 8
    CH_LAST = V - CH * (NS - 1)
    assert CH_LAST > 0

    mesh = plsc.VectorSubcoreMesh(core_axis_name="c", subcore_axis_name="s",
                                  num_cores=NC, num_subcores=NS)

    def body(x_hbm, emb_hbm, proj_hbm, fcw_hbm, fcb_hbm, out_hbm,
             idx_v, lin_v, fc_v, proj_sh, bounce, *ring):
        bufs = ring[:_NBUF]
        pbufs = ring[_NBUF:2 * _NBUF]
        sems_e = ring[2 * _NBUF:3 * _NBUF]
        sems_p = ring[3 * _NBUF:4 * _NBUF]

        sid = lax.axis_index("s")
        wid = sid * NC + lax.axis_index("c")
        base = wid * RPW

        cx = pltpu.make_async_copy(x_hbm.at[pl.ds(base, RPW)], idx_v,
                                   sems_e[0])
        cx.start()
        cw = pltpu.make_async_copy(fcw_hbm, fc_v.at[pl.ds(0, 1)], sems_e[1])
        cw.start()
        cb = pltpu.make_async_copy(fcb_hbm, fc_v.at[pl.ds(8, 1)], sems_e[2])
        cb.start()

        @pl.when(sid < NS - 1)
        def _stage():
            pltpu.sync_copy(proj_hbm.at[pl.ds(sid * CH, CH)], bounce)
            pltpu.sync_copy(bounce, proj_sh.at[pl.ds(sid * CH, CH)])

        @pl.when(sid == NS - 1)
        def _stage_last():
            pltpu.sync_copy(proj_hbm.at[pl.ds((NS - 1) * CH, CH_LAST)],
                            bounce.at[pl.ds(0, CH_LAST)])
            pltpu.sync_copy(bounce.at[pl.ds(0, CH_LAST)],
                            proj_sh.at[pl.ds((NS - 1) * CH, CH_LAST)])

        cw.wait()
        cb.wait()
        cx.wait()

        zeros = jnp.zeros((_L,), jnp.float32)
        for pb in pbufs:
            pb[pl.ds(FP - _L, _L)] = zeros

        def copies(b, k):
            idx_row = idx_v.at[b]
            return (pltpu.make_async_copy(emb_hbm.at[idx_row], bufs[k], sems_e[k]),
                    pltpu.make_async_copy(proj_sh.at[idx_row],
                                          pbufs[k].at[pl.ds(0, F)], sems_p[k]))

        def start(b, k):
            ce, cp = copies(b, k)
            ce.start()
            cp.start()

        def wait(b, k):
            ce, cp = copies(b, k)
            ce.wait()
            cp.wait()

        def process(b, k):
            buf, pbuf = bufs[k], pbufs[k]

            init = tuple(jnp.zeros((_L,), jnp.float32) for _ in range(2 * NJ))

            @plsc.parallel_loop(0, F, step=1, unroll=_UNROLL, carry=init)
            def accs(r, carry):
                new_s, new_q = [], []
                for j in range(NJ):
                    v = buf[r, pl.ds(j * _L, _L)]
                    new_s.append(carry[j] + v)
                    new_q.append(carry[NJ + j] + v * v)
                return tuple(new_s) + tuple(new_q)
            u = accs[0] * accs[0]
            q = accs[NJ]
            for j in range(1, NJ):
                u = u + accs[j] * accs[j]
                q = q + accs[NJ + j]
            p = pbuf[pl.ds(0, _L)]
            for j in range(1, FP // _L):
                p = p + pbuf[pl.ds(j * _L, _L)]
            lin = jnp.sum(p + 0.5 * (u - q))
            idxv = jnp.full((_L,), b, dtype=jnp.int32)
            valv = jnp.full((_L,), lin, dtype=jnp.float32)
            mask = lax.iota(jnp.int32, _L) == 0
            plsc.store_scatter(lin_v, [idxv], valv, mask=mask)

        for k in range(_NBUF - 1):
            copies(k, k)[0].start()
        plsc.subcore_barrier()
        for k in range(_NBUF - 1):
            copies(k, k)[1].start()

        def outer(i, _):
            for k in range(_NBUF):
                b = _NBUF * i + k

                @pl.when(b + _NBUF - 1 < RPW)
                def _start():
                    start(b + _NBUF - 1, (k + _NBUF - 1) % _NBUF)

                wait(b, k)
                process(b, k)
            return _

        lax.fori_loop(0, RPW // _NBUF, outer, 0)

        fcvec = fc_v[...]
        fcw = fcvec[0]
        fcb = fcvec[8]
        for j in range(RPW // _L):
            v = lin_v[pl.ds(j * _L, _L)]
            logit = v * fcw + fcb
            lin_v[pl.ds(j * _L, _L)] = 1.0 / (1.0 + jnp.exp(-logit))
        pltpu.sync_copy(lin_v, out_hbm.at[pl.ds(base, RPW)])

    return pl.kernel(
        body,
        out_type=jax.ShapeDtypeStruct((B,), jnp.float32),
        mesh=mesh,
        compiler_params=pltpu.CompilerParams(needs_layout_passes=False),
        scratch_types=(
            [
                pltpu.VMEM((RPW, F), jnp.int32),
                pltpu.VMEM((RPW,), jnp.float32),
                pltpu.VMEM((_L,), jnp.float32),
                pltpu.VMEM_SHARED((V,), jnp.float32),
                pltpu.VMEM((CH,), jnp.float32),
            ]
            + [pltpu.VMEM((F, D), jnp.float32) for _ in range(_NBUF)]
            + [pltpu.VMEM((FP,), jnp.float32) for _ in range(_NBUF)]
            + [pltpu.SemaphoreType.DMA for _ in range(2 * _NBUF)]
        ),
    )


def kernel(x, emb, proj_w, fc_w, fc_b):
    B, F = x.shape
    D = emb.shape[1]
    info = plsc.get_sparse_core_info()
    fm = _build_fm(B, F, D, emb.shape[0], info.num_cores, info.num_subcores)
    if x.dtype != jnp.int32:
        x = x.astype(jnp.int32)
    return fm(x, emb, proj_w.reshape(-1), fc_w.reshape(-1), fc_b)

# --- scband reference (transcript-rebuilt; emitter-appended) ---
"""Pipeline reference for scband-factorization-machine-44298292690969 (READ-ONLY COPY).

The authoritative reference and input builder live on the scoring server;
editing this copy changes nothing except your own understanding.
"""

import jax, jax.numpy as jnp
import numpy as np

B = 4096
F = 100
VOCAB = 100000
D = 128

def setup_inputs(seed: int = 0) -> dict:
    key = jax.random.key(seed)
    k1, k2, k3, k4, k5 = jax.random.split(key, 5)
    x = jax.random.randint(k1, (B, F), 0, VOCAB, dtype=jnp.int64 if jax.config.jax_enable_x64 else jnp.int32)
    # xavier_normal-like init for 2-D params
    emb = jax.random.normal(k2, (VOCAB, D), dtype=jnp.float32) * float(np.sqrt(2.0 / (VOCAB + D)))
    proj_w = jax.random.normal(k3, (VOCAB, 1), dtype=jnp.float32) * float(np.sqrt(2.0 / (VOCAB + 1)))
    fc_w = jax.random.normal(k4, (1, 1), dtype=jnp.float32) * 1.0
    fc_b = jax.random.normal(k5, (1,), dtype=jnp.float32) * 0.1
    return {"x": x, "emb": emb, "proj_w": proj_w, "fc_w": fc_w, "fc_b": fc_b}

def reference(x, emb, proj_w, fc_w, fc_b):
    # v: [B, F, D] embedding gather
    v = jnp.take(emb, x, axis=0)
    # FM second-order interaction: 1/2 * ((sum v)^2 - sum(v^2)) summed over embedding dim
    interaction = 0.5 * ((v.sum(axis=1) ** 2 - (v ** 2).sum(axis=1))).sum(axis=-1, keepdims=True)  # [B, 1]
    # first-order projection: [B, F, 1] -> [B, 1]
    proj = jnp.take(proj_w, x, axis=0).sum(axis=1)
    # fc: Linear(1, 1)
    logit = ((proj + interaction) @ fc_w.T + fc_b).reshape(-1)  # [B]
    return jax.nn.sigmoid(logit)

if __name__ == "__main__":
    import jax
    _d = setup_inputs()
    print(jax.jit(kernel)(*tuple(_d.values())))

</pallas_src>

<mosaic_0001>
#map = affine_map<(d0, d1) -> (0, 0)>
#map1 = affine_map<(d0, d1) -> (0)>
module attributes {stable_mosaic.version = 14 : i64} {
  func.func @body(%arg0: i32, %arg1: i32, %arg2: memref<4096x100xi32, #tpu.memory_space<hbm>>, %arg3: memref<100000x128xf32, #tpu.memory_space<hbm>>, %arg4: memref<100000xf32, #tpu.memory_space<hbm>>, %arg5: memref<1xf32, #tpu.memory_space<hbm>>, %arg6: memref<1xf32, #tpu.memory_space<hbm>>, %arg7: memref<4096xf32, #tpu.memory_space<hbm>>, %arg8: memref<128x100xi32, #tpu.memory_space<vmem>>, %arg9: memref<128xf32, #tpu.memory_space<vmem>>, %arg10: memref<16xf32, #tpu.memory_space<vmem>>, %arg11: memref<100000xf32, #tpu.memory_space<vmem_shared>>, %arg12: memref<6256xf32, #tpu.memory_space<vmem>>, %arg13: memref<100x128xf32, #tpu.memory_space<vmem>>, %arg14: memref<100x128xf32, #tpu.memory_space<vmem>>, %arg15: memref<100x128xf32, #tpu.memory_space<vmem>>, %arg16: memref<100x128xf32, #tpu.memory_space<vmem>>, %arg17: memref<112xf32, #tpu.memory_space<vmem>>, %arg18: memref<112xf32, #tpu.memory_space<vmem>>, %arg19: memref<112xf32, #tpu.memory_space<vmem>>, %arg20: memref<112xf32, #tpu.memory_space<vmem>>, %arg21: memref<!tpu.dma_semaphore, #tpu.memory_space<semaphore_mem>>, %arg22: memref<!tpu.dma_semaphore, #tpu.memory_space<semaphore_mem>>, %arg23: memref<!tpu.dma_semaphore, #tpu.memory_space<semaphore_mem>>, %arg24: memref<!tpu.dma_semaphore, #tpu.memory_space<semaphore_mem>>, %arg25: memref<!tpu.dma_semaphore, #tpu.memory_space<semaphore_mem>>, %arg26: memref<!tpu.dma_semaphore, #tpu.memory_space<semaphore_mem>>, %arg27: memref<!tpu.dma_semaphore, #tpu.memory_space<semaphore_mem>>, %arg28: memref<!tpu.dma_semaphore, #tpu.memory_space<semaphore_mem>>) attributes {dimension_semantics = [#tpu.dimension_semantics<core_parallel>, #tpu.dimension_semantics<subcore_parallel>], iteration_bounds = array<i64: 2, 16>, scalar_prefetch = 0 : i64, scratch_operands = 21 : i64, tpu.core_type = #tpu.core_type<sc_vector_subcore>, window_params = [{transform_indices = #map}, {transform_indices = #map}, {transform_indices = #map1}, {transform_indices = #map1}, {transform_indices = #map1}, {transform_indices = #map1}]} {
    %mul3A = arith.constant 2 : i32
    %mul3A_0 = arith.muli %arg1, %mul3A : i32
    %add3A = arith.addi %mul3A_0, %arg0 : i32
    %mul3A_1 = arith.constant 128 : i32
    %mul3A_2 = arith.muli %add3A, %mul3A_1 : i32
    %dma_start3A = arith.constant 0 : i32
    %dma_start3A_3 = tpu.memref_slice %arg2[%mul3A_2, %dma_start3A] : memref<4096x100xi32, #tpu.memory_space<hbm>> -> memref<128x100xi32, #tpu.memory_space<hbm>>
    %dma_start3A_4 = arith.constant 0 : i32
    %dma_start3A_5 = tpu.memref_slice %arg2[%mul3A_2, %dma_start3A_4] : memref<4096x100xi32, #tpu.memory_space<hbm>> -> memref<128x100xi32, #tpu.memory_space<hbm>>
    tpu.enqueue_dma source(%dma_start3A_5 : memref<128x100xi32, #tpu.memory_space<hbm>>) target(%arg8 : memref<128x100xi32, #tpu.memory_space<vmem>>) target_semaphore(%arg21 : memref<!tpu.dma_semaphore, #tpu.memory_space<semaphore_mem>>)
    %dma_start3A_6 = arith.constant 0 : i32
    %dma_start3A_7 = tpu.memref_slice %arg10[%dma_start3A_6] : memref<16xf32, #tpu.memory_space<vmem>> -> memref<1xf32, #tpu.memory_space<vmem>>
    %dma_start3A_8 = arith.constant 0 : i32
    %dma_start3A_9 = tpu.memref_slice %arg10[%dma_start3A_8] : memref<16xf32, #tpu.memory_space<vmem>> -> memref<1xf32, #tpu.memory_space<vmem>>
    tpu.enqueue_dma source(%arg5 : memref<1xf32, #tpu.memory_space<hbm>>) target(%dma_start3A_9 : memref<1xf32, #tpu.memory_space<vmem>>) target_semaphore(%arg22 : memref<!tpu.dma_semaphore, #tpu.memory_space<semaphore_mem>>)
    %dma_start3A_10 = arith.constant 8 : i32
    %dma_start3A_11 = tpu.memref_slice %arg10[%dma_start3A_10] : memref<16xf32, #tpu.memory_space<vmem>> -> memref<1xf32, #tpu.memory_space<vmem>>
    %dma_start3A_12 = arith.constant 8 : i32
    %dma_start3A_13 = tpu.memref_slice %arg10[%dma_start3A_12] : memref<16xf32, #tpu.memory_space<vmem>> -> memref<1xf32, #tpu.memory_space<vmem>>
    tpu.enqueue_dma source(%arg6 : memref<1xf32, #tpu.memory_space<hbm>>) target(%dma_start3A_13 : memref<1xf32, #tpu.memory_space<vmem>>) target_semaphore(%arg23 : memref<!tpu.dma_semaphore, #tpu.memory_space<semaphore_mem>>)
    %lt3A = arith.constant 15 : i32
    %lt3A_14 = arith.cmpi slt, %arg1, %lt3A : i32
    %convert_element_type3A = arith.extui %lt3A_14 : i1 to i32
    %cond3A = arith.constant 0 : i32
    %cond3A_15 = arith.cmpi ne, %convert_element_type3A, %cond3A : i32
    scf.if %cond3A_15 {
      %mul3A_233 = arith.constant 6256 : i32
      %mul3A_234 = arith.muli %arg1, %mul3A_233 : i32
      "tpu.region"() ({
        %run_scoped3A = tpu.sem_alloc : memref<!tpu.dma_semaphore, #tpu.memory_space<semaphore_mem>>
        %dma_start3A_237 = tpu.memref_slice %arg4[%mul3A_234] : memref<100000xf32, #tpu.memory_space<hbm>> -> memref<6256xf32, #tpu.memory_space<hbm>>
        %dma_start3A_238 = tpu.memref_slice %arg4[%mul3A_234] : memref<100000xf32, #tpu.memory_space<hbm>> -> memref<6256xf32, #tpu.memory_space<hbm>>
        tpu.enqueue_dma source(%dma_start3A_238 : memref<6256xf32, #tpu.memory_space<hbm>>) target(%arg12 : memref<6256xf32, #tpu.memory_space<vmem>>) target_semaphore(%run_scoped3A : memref<!tpu.dma_semaphore, #tpu.memory_space<semaphore_mem>>)
        %dma_wait3A_239 = tpu.memref_slice %arg4[%mul3A_234] : memref<100000xf32, #tpu.memory_space<hbm>> -> memref<6256xf32, #tpu.memory_space<hbm>>
        %dma_wait3A_240 = tpu.memref_slice %arg4[%mul3A_234] : memref<100000xf32, #tpu.memory_space<hbm>> -> memref<6256xf32, #tpu.memory_space<hbm>>
        tpu.wait_dma2 semaphore(%run_scoped3A : memref<!tpu.dma_semaphore, #tpu.memory_space<semaphore_mem>>) src(%dma_wait3A_240 : memref<6256xf32, #tpu.memory_space<hbm>>) dst(%arg12 : memref<6256xf32, #tpu.memory_space<vmem>>)
        tpu.yield
      }) : () -> ()
      %mul3A_235 = arith.constant 6256 : i32
      %mul3A_236 = arith.muli %arg1, %mul3A_235 : i32
      "tpu.region"() ({
        %run_scoped3A = tpu.sem_alloc : memref<!tpu.dma_semaphore, #tpu.memory_space<semaphore_mem>>
        %dma_start3A_237 = tpu.memref_slice %arg11[%mul3A_236] : memref<100000xf32, #tpu.memory_space<vmem_shared>> -> memref<6256xf32, #tpu.memory_space<vmem_shared>>
        %dma_start3A_238 = tpu.memref_slice %arg11[%mul3A_236] : memref<100000xf32, #tpu.memory_space<vmem_shared>> -> memref<6256xf32, #tpu.memory_space<vmem_shared>>
        tpu.enqueue_dma source(%arg12 : memref<6256xf32, #tpu.memory_space<vmem>>) target(%dma_start3A_238 : memref<6256xf32, #tpu.memory_space<vmem_shared>>) target_semaphore(%run_scoped3A : memref<!tpu.dma_semaphore, #tpu.memory_space<semaphore_mem>>)
        %dma_wait3A_239 = tpu.memref_slice %arg11[%mul3A_236] : memref<100000xf32, #tpu.memory_space<vmem_shared>> -> memref<6256xf32, #tpu.memory_space<vmem_shared>>
        %dma_wait3A_240 = tpu.memref_slice %arg11[%mul3A_236] : memref<100000xf32, #tpu.memory_space<vmem_shared>> -> memref<6256xf32, #tpu.memory_space<vmem_shared>>
        tpu.wait_dma2 semaphore(%run_scoped3A : memref<!tpu.dma_semaphore, #tpu.memory_space<semaphore_mem>>) src(%arg12 : memref<6256xf32, #tpu.memory_space<vmem>>) dst(%dma_wait3A_240 : memref<6256xf32, #tpu.memory_space<vmem_shared>>)
        tpu.yield
      }) : () -> ()
    } else {
    }
    %eq3A = arith.constant 15 : i32
    %eq3A_16 = arith.cmpi eq, %arg1, %eq3A : i32
    %convert_element_type3A_17 = arith.extui %eq3A_16 : i1 to i32
    %cond3A_18 = arith.constant 0 : i32
    %cond3A_19 = arith.cmpi ne, %convert_element_type3A_17, %cond3A_18 : i32
    scf.if %cond3A_19 {
      "tpu.region"() ({
        %run_scoped3A = tpu.sem_alloc : memref<!tpu.dma_semaphore, #tpu.memory_space<semaphore_mem>>
        %dma_start3A_233 = arith.constant 0 : i32
        %dma_start3A_234 = tpu.memref_slice %arg12[%dma_start3A_233] : memref<6256xf32, #tpu.memory_space<vmem>> -> memref<6160xf32, #tpu.memory_space<vmem>>
        %dma_start3A_235 = arith.constant 93840 : i32
        %dma_start3A_236 = tpu.memref_slice %arg4[%dma_start3A_235] : memref<100000xf32, #tpu.memory_space<hbm>> -> memref<6160xf32, #tpu.memory_space<hbm>>
        %dma_start3A_237 = arith.constant 0 : i32
        %dma_start3A_238 = tpu.memref_slice %arg12[%dma_start3A_237] : memref<6256xf32, #tpu.memory_space<vmem>> -> memref<6160xf32, #tpu.memory_space<vmem>>
        %dma_start3A_239 = arith.constant 93840 : i32
        %dma_start3A_240 = tpu.memref_slice %arg4[%dma_start3A_239] : memref<100000xf32, #tpu.memory_space<hbm>> -> memref<6160xf32, #tpu.memory_space<hbm>>
        tpu.enqueue_dma source(%dma_start3A_240 : memref<6160xf32, #tpu.memory_space<hbm>>) target(%dma_start3A_238 : memref<6160xf32, #tpu.memory_space<vmem>>) target_semaphore(%run_scoped3A : memref<!tpu.dma_semaphore, #tpu.memory_space<semaphore_mem>>)
        %dma_wait3A_241 = arith.constant 0 : i32
        %dma_wait3A_242 = tpu.memref_slice %arg12[%dma_wait3A_241] : memref<6256xf32, #tpu.memory_space<vmem>> -> memref<6160xf32, #tpu.memory_space<vmem>>
        %dma_wait3A_243 = arith.constant 93840 : i32
        %dma_wait3A_244 = tpu.memref_slice %arg4[%dma_wait3A_243] : memref<100000xf32, #tpu.memory_space<hbm>> -> memref<6160xf32, #tpu.memory_space<hbm>>
        %dma_wait3A_245 = arith.constant 0 : i32
        %dma_wait3A_246 = tpu.memref_slice %arg12[%dma_wait3A_245] : memref<6256xf32, #tpu.memory_space<vmem>> -> memref<6160xf32, #tpu.memory_space<vmem>>
        %dma_wait3A_247 = arith.constant 93840 : i32
        %dma_wait3A_248 = tpu.memref_slice %arg4[%dma_wait3A_247] : memref<100000xf32, #tpu.memory_space<hbm>> -> memref<6160xf32, #tpu.memory_space<hbm>>
        tpu.wait_dma2 semaphore(%run_scoped3A : memref<!tpu.dma_semaphore, #tpu.memory_space<semaphore_mem>>) src(%dma_wait3A_248 : memref<6160xf32, #tpu.memory_space<hbm>>) dst(%dma_wait3A_246 : memref<6160xf32, #tpu.memory_space<vmem>>)
        tpu.yield
      }) : () -> ()
      "tpu.region"() ({
        %run_scoped3A = tpu.sem_alloc : memref<!tpu.dma_semaphore, #tpu.memory_space<semaphore_mem>>
        %dma_start3A_233 = arith.constant 0 : i32
        %dma_start3A_234 = tpu.memref_slice %arg12[%dma_start3A_233] : memref<6256xf32, #tpu.memory_space<vmem>> -> memref<6160xf32, #tpu.memory_space<vmem>>
        %dma_start3A_235 = arith.constant 93840 : i32
        %dma_start3A_236 = tpu.memref_slice %arg11[%dma_start3A_235] : memref<100000xf32, #tpu.memory_space<vmem_shared>> -> memref<6160xf32, #tpu.memory_space<vmem_shared>>
        %dma_start3A_237 = arith.constant 93840 : i32
        %dma_start3A_238 = tpu.memref_slice %arg11[%dma_start3A_237] : memref<100000xf32, #tpu.memory_space<vmem_shared>> -> memref<6160xf32, #tpu.memory_space<vmem_shared>>
        %dma_start3A_239 = arith.constant 0 : i32
        %dma_start3A_240 = tpu.memref_slice %arg12[%dma_start3A_239] : memref<6256xf32, #tpu.memory_space<vmem>> -> memref<6160xf32, #tpu.memory_space<vmem>>
        tpu.enqueue_dma source(%dma_start3A_240 : memref<6160xf32, #tpu.memory_space<vmem>>) target(%dma_start3A_238 : memref<6160xf32, #tpu.memory_space<vmem_shared>>) target_semaphore(%run_scoped3A : memref<!tpu.dma_semaphore, #tpu.memory_space<semaphore_mem>>)
        %dma_wait3A_241 = arith.constant 0 : i32
        %dma_wait3A_242 = tpu.memref_slice %arg12[%dma_wait3A_241] : memref<6256xf32, #tpu.memory_space<vmem>> -> memref<6160xf32, #tpu.memory_space<vmem>>
        %dma_wait3A_243 = arith.constant 93840 : i32
        %dma_wait3A_244 = tpu.memref_slice %arg11[%dma_wait3A_243] : memref<100000xf32, #tpu.memory_space<vmem_shared>> -> memref<6160xf32, #tpu.memory_space<vmem_shared>>
        %dma_wait3A_245 = arith.constant 93840 : i32
        %dma_wait3A_246 = tpu.memref_slice %arg11[%dma_wait3A_245] : memref<100000xf32, #tpu.memory_space<vmem_shared>> -> memref<6160xf32, #tpu.memory_space<vmem_shared>>
        %dma_wait3A_247 = arith.constant 0 : i32
        %dma_wait3A_248 = tpu.memref_slice %arg12[%dma_wait3A_247] : memref<6256xf32, #tpu.memory_space<vmem>> -> memref<6160xf32, #tpu.memory_space<vmem>>
        tpu.wait_dma2 semaphore(%run_scoped3A : memref<!tpu.dma_semaphore, #tpu.memory_space<semaphore_mem>>) src(%dma_wait3A_248 : memref<6160xf32, #tpu.memory_space<vmem>>) dst(%dma_wait3A_246 : memref<6160xf32, #tpu.memory_space<vmem_shared>>)
        tpu.yield
      }) : () -> ()
    } else {
    }
    %dma_wait3A = arith.constant 0 : i32
    %dma_wait3A_20 = tpu.memref_slice %arg10[%dma_wait3A] : memref<16xf32, #tpu.memory_space<vmem>> -> memref<1xf32, #tpu.memory_space<vmem>>
    %dma_wait3A_21 = arith.constant 0 : i32
    %dma_wait3A_22 = tpu.memref_slice %arg10[%dma_wait3A_21] : memref<16xf32, #tpu.memory_space<vmem>> -> memref<1xf32, #tpu.memory_space<vmem>>
    tpu.wait_dma2 semaphore(%arg22 : memref<!tpu.dma_semaphore, #tpu.memory_space<semaphore_mem>>) src(%arg5 : memref<1xf32, #tpu.memory_space<hbm>>) dst(%dma_wait3A_22 : memref<1xf32, #tpu.memory_space<vmem>>)
    %dma_wait3A_23 = arith.constant 8 : i32
    %dma_wait3A_24 = tpu.memref_slice %arg10[%dma_wait3A_23] : memref<16xf32, #tpu.memory_space<vmem>> -> memref<1xf32, #tpu.memory_space<vmem>>
    %dma_wait3A_25 = arith.constant 8 : i32
    %dma_wait3A_26 = tpu.memref_slice %arg10[%dma_wait3A_25] : memref<16xf32, #tpu.memory_space<vmem>> -> memref<1xf32, #tpu.memory_space<vmem>>
    tpu.wait_dma2 semaphore(%arg23 : memref<!tpu.dma_semaphore, #tpu.memory_space<semaphore_mem>>) src(%arg6 : memref<1xf32, #tpu.memory_space<hbm>>) dst(%dma_wait3A_26 : memref<1xf32, #tpu.memory_space<vmem>>)
    %dma_wait3A_27 = arith.constant 0 : i32
    %dma_wait3A_28 = tpu.memref_slice %arg2[%mul3A_2, %dma_wait3A_27] : memref<4096x100xi32, #tpu.memory_space<hbm>> -> memref<128x100xi32, #tpu.memory_space<hbm>>
    %dma_wait3A_29 = arith.constant 0 : i32
    %dma_wait3A_30 = tpu.memref_slice %arg2[%mul3A_2, %dma_wait3A_29] : memref<4096x100xi32, #tpu.memory_space<hbm>> -> memref<128x100xi32, #tpu.memory_space<hbm>>
    tpu.wait_dma2 semaphore(%arg21 : memref<!tpu.dma_semaphore, #tpu.memory_space<semaphore_mem>>) src(%dma_wait3A_30 : memref<128x100xi32, #tpu.memory_space<hbm>>) dst(%arg8 : memref<128x100xi32, #tpu.memory_space<vmem>>)
    %broadcast_in_dim3A = arith.constant 0.000000e+00 : f32
    %broadcast_in_dim3A_31 = vector.broadcast %broadcast_in_dim3A : f32 to vector<16xf32>
    %swap3A = arith.constant 96 : index
    %swap3A_32 = tpu.vector_load %arg17[%swap3A] {strides = array<i32>} : memref<112xf32, #tpu.memory_space<vmem>>, vector<16xf32>,
    tpu.vector_store %arg17[%swap3A], %broadcast_in_dim3A_31 {strides = array<i32>} : memref<112xf32, #tpu.memory_space<vmem>>, vector<16xf32>,
    %swap3A_33 = arith.constant 96 : index
    %swap3A_34 = tpu.vector_load %arg18[%swap3A_33] {strides = array<i32>} : memref<112xf32, #tpu.memory_space<vmem>>, vector<16xf32>,
    tpu.vector_store %arg18[%swap3A_33], %broadcast_in_dim3A_31 {strides = array<i32>} : memref<112xf32, #tpu.memory_space<vmem>>, vector<16xf32>,
    %swap3A_35 = arith.constant 96 : index
    %swap3A_36 = tpu.vector_load %arg19[%swap3A_35] {strides = array<i32>} : memref<112xf32, #tpu.memory_space<vmem>>, vector<16xf32>,
    tpu.vector_store %arg19[%swap3A_35], %broadcast_in_dim3A_31 {strides = array<i32>} : memref<112xf32, #tpu.memory_space<vmem>>, vector<16xf32>,
    %swap3A_37 = arith.constant 96 : index
    %swap3A_38 = tpu.vector_load %arg20[%swap3A_37] {strides = array<i32>} : memref<112xf32, #tpu.memory_space<vmem>>, vector<16xf32>,
    tpu.vector_store %arg20[%swap3A_37], %broadcast_in_dim3A_31 {strides = array<i32>} : memref<112xf32, #tpu.memory_space<vmem>>, vector<16xf32>,
    %dma_start3A_39 = arith.constant 0 : i32
    %dma_start3A_40 = arith.constant 0 : i32
    %dma_start3A_41 = tpu.memref_slice %arg8[%dma_start3A_39, %dma_start3A_40] : memref<128x100xi32, #tpu.memory_space<vmem>> -> memref<1x100xi32, #tpu.memory_space<vmem>>
    %dma_start3A_42 = tpu.memref_squeeze %dma_start3A_41 : memref<1x100xi32, #tpu.memory_space<vmem>> -> memref<100xi32, #tpu.memory_space<vmem>>
    %dma_start3A_43 = arith.constant 0 : i32
    %dma_start3A_44 = arith.constant 0 : i32
    %dma_start3A_45 = tpu.memref_slice %arg3[%dma_start3A_43, %dma_start3A_44] : memref<100000x128xf32, #tpu.memory_space<hbm>> -> memref<100000x128xf32, #tpu.memory_space<hbm>>
    tpu.enqueue_indirect_dma source(%dma_start3A_45 : memref<100000x128xf32, #tpu.memory_space<hbm>>) target(%arg13 : memref<100x128xf32, #tpu.memory_space<vmem>>) offsets(%dma_start3A_42 : memref<100xi32, #tpu.memory_space<vmem>>) semaphore(%arg21 : memref<!tpu.dma_semaphore, #tpu.memory_space<semaphore_mem>>)
    %dma_start3A_46 = arith.constant 1 : i32
    %dma_start3A_47 = arith.constant 0 : i32
    %dma_start3A_48 = tpu.memref_slice %arg8[%dma_start3A_46, %dma_start3A_47] : memref<128x100xi32, #tpu.memory_space<vmem>> -> memref<1x100xi32, #tpu.memory_space<vmem>>
    %dma_start3A_49 = tpu.memref_squeeze %dma_start3A_48 : memref<1x100xi32, #tpu.memory_space<vmem>> -> memref<100xi32, #tpu.memory_space<vmem>>
    %dma_start3A_50 = arith.constant 0 : i32
    %dma_start3A_51 = arith.constant 0 : i32
    %dma_start3A_52 = tpu.memref_slice %arg3[%dma_start3A_50, %dma_start3A_51] : memref<100000x128xf32, #tpu.memory_space<hbm>> -> memref<100000x128xf32, #tpu.memory_space<hbm>>
    tpu.enqueue_indirect_dma source(%dma_start3A_52 : memref<100000x128xf32, #tpu.memory_space<hbm>>) target(%arg14 : memref<100x128xf32, #tpu.memory_space<vmem>>) offsets(%dma_start3A_49 : memref<100xi32, #tpu.memory_space<vmem>>) semaphore(%arg22 : memref<!tpu.dma_semaphore, #tpu.memory_space<semaphore_mem>>)
    %dma_start3A_53 = arith.constant 2 : i32
    %dma_start3A_54 = arith.constant 0 : i32
    %dma_start3A_55 = tpu.memref_slice %arg8[%dma_start3A_53, %dma_start3A_54] : memref<128x100xi32, #tpu.memory_space<vmem>> -> memref<1x100xi32, #tpu.memory_space<vmem>>
    %dma_start3A_56 = tpu.memref_squeeze %dma_start3A_55 : memref<1x100xi32, #tpu.memory_space<vmem>> -> memref<100xi32, #tpu.memory_space<vmem>>
    %dma_start3A_57 = arith.constant 0 : i32
    %dma_start3A_58 = arith.constant 0 : i32
    %dma_start3A_59 = tpu.memref_slice %arg3[%dma_start3A_57, %dma_start3A_58] : memref<100000x128xf32, #tpu.memory_space<hbm>> -> memref<100000x128xf32, #tpu.memory_space<hbm>>
    tpu.enqueue_indirect_dma source(%dma_start3A_59 : memref<100000x128xf32, #tpu.memory_space<hbm>>) target(%arg15 : memref<100x128xf32, #tpu.memory_space<vmem>>) offsets(%dma_start3A_56 : memref<100xi32, #tpu.memory_space<vmem>>) semaphore(%arg23 : memref<!tpu.dma_semaphore, #tpu.memory_space<semaphore_mem>>)
    %barrier3A = arith.constant 0 : index
    tpu.barrier barrier_id(%barrier3A)
    %dma_start3A_60 = arith.constant 0 : i32
    %dma_start3A_61 = arith.constant 0 : i32
    %dma_start3A_62 = tpu.memref_slice %arg17[%dma_start3A_61] : memref<112xf32, #tpu.memory_space<vmem>> -> memref<100xf32, #tpu.memory_space<vmem>>
    %dma_start3A_63 = arith.constant 0 : i32
    %dma_start3A_64 = tpu.memref_slice %arg8[%dma_start3A_60, %dma_start3A_63] : memref<128x100xi32, #tpu.memory_space<vmem>> -> memref<1x100xi32, #tpu.memory_space<vmem>>
    %dma_start3A_65 = tpu.memref_squeeze %dma_start3A_64 : memref<1x100xi32, #tpu.memory_space<vmem>> -> memref<100xi32, #tpu.memory_space<vmem>>
    %dma_start3A_66 = arith.constant 0 : i32
    %dma_start3A_67 = tpu.memref_slice %arg11[%dma_start3A_66] : memref<100000xf32, #tpu.memory_space<vmem_shared>> -> memref<100000xf32, #tpu.memory_space<vmem_shared>>
    tpu.enqueue_indirect_dma source(%dma_start3A_67 : memref<100000xf32, #tpu.memory_space<vmem_shared>>) target(%dma_start3A_62 : memref<100xf32, #tpu.memory_space<vmem>>) offsets(%dma_start3A_65 : memref<100xi32, #tpu.memory_space<vmem>>) semaphore(%arg25 : memref<!tpu.dma_semaphore, #tpu.memory_space<semaphore_mem>>)
    %dma_start3A_68 = arith.constant 1 : i32
    %dma_start3A_69 = arith.constant 0 : i32
    %dma_start3A_70 = tpu.memref_slice %arg18[%dma_start3A_69] : memref<112xf32, #tpu.memory_space<vmem>> -> memref<100xf32, #tpu.memory_space<vmem>>
    %dma_start3A_71 = arith.constant 0 : i32
    %dma_start3A_72 = tpu.memref_slice %arg8[%dma_start3A_68, %dma_start3A_71] : memref<128x100xi32, #tpu.memory_space<vmem>> -> memref<1x100xi32, #tpu.memory_space<vmem>>
    %dma_start3A_73 = tpu.memref_squeeze %dma_start3A_72 : memref<1x100xi32, #tpu.memory_space<vmem>> -> memref<100xi32, #tpu.memory_space<vmem>>
    %dma_start3A_74 = arith.constant 0 : i32
    %dma_start3A_75 = tpu.memref_slice %arg11[%dma_start3A_74] : memref<100000xf32, #tpu.memory_space<vmem_shared>> -> memref<100000xf32, #tpu.memory_space<vmem_shared>>
    tpu.enqueue_indirect_dma source(%dma_start3A_75 : memref<100000xf32, #tpu.memory_space<vmem_shared>>) target(%dma_start3A_70 : memref<100xf32, #tpu.memory_space<vmem>>) offsets(%dma_start3A_73 : memref<100xi32, #tpu.memory_space<vmem>>) semaphore(%arg26 : memref<!tpu.dma_semaphore, #tpu.memory_space<semaphore_mem>>)
    %dma_start3A_76 = arith.constant 2 : i32
    %dma_start3A_77 = arith.constant 0 : i32
    %dma_start3A_78 = tpu.memref_slice %arg19[%dma_start3A_77] : memref<112xf32, #tpu.memory_space<vmem>> -> memref<100xf32, #tpu.memory_space<vmem>>
    %dma_start3A_79 = arith.constant 0 : i32
    %dma_start3A_80 = tpu.memref_slice %arg8[%dma_start3A_76, %dma_start3A_79] : memref<128x100xi32, #tpu.memory_space<vmem>> -> memref<1x100xi32, #tpu.memory_space<vmem>>
    %dma_start3A_81 = tpu.memref_squeeze %dma_start3A_80 : memref<1x100xi32, #tpu.memory_space<vmem>> -> memref<100xi32, #tpu.memory_space<vmem>>
    %dma_start3A_82 = arith.constant 0 : i32
    %dma_start3A_83 = tpu.memref_slice %arg11[%dma_start3A_82] : memref<100000xf32, #tpu.memory_space<vmem_shared>> -> memref<100000xf32, #tpu.memory_space<vmem_shared>>
    tpu.enqueue_indirect_dma source(%dma_start3A_83 : memref<100000xf32, #tpu.memory_space<vmem_shared>>) target(%dma_start3A_78 : memref<100xf32, #tpu.memory_space<vmem>>) offsets(%dma_start3A_81 : memref<100xi32, #tpu.memory_space<vmem>>) semaphore(%arg27 : memref<!tpu.dma_semaphore, #tpu.memory_space<semaphore_mem>>)
    %scan3A = arith.constant 0 : i32
    %scan3A_84 = arith.constant 0 : i32
    %scan3A_85 = arith.constant 32 : i32
    %scan3A_86 = arith.addi %scan3A_84, %scan3A_85 : i32
    %scan3A_87 = arith.constant 1 : i32
    scf.for %scan3A_233 = %scan3A_84 to %scan3A_86 step %scan3A_87  : i32 {
      %mul3A_234 = arith.constant 4 : i32
      %mul3A_235 = arith.muli %mul3A_234, %scan3A_233 : i32
      %add3A_236 = arith.constant 0 : i32
      %add3A_237 = arith.addi %mul3A_235, %add3A_236 : i32
      %add3A_238 = arith.constant 4 : i32
      %add3A_239 = arith.addi %add3A_237, %add3A_238 : i32
      %sub3A = arith.constant 1 : i32
      %sub3A_240 = arith.subi %add3A_239, %sub3A : i32
      %lt3A_241 = arith.constant 128 : i32
      %lt3A_242 = arith.cmpi slt, %sub3A_240, %lt3A_241 : i32
      %convert_element_type3A_243 = arith.extui %lt3A_242 : i1 to i32
      %cond3A_244 = arith.constant 0 : i32
      %cond3A_245 = arith.cmpi ne, %convert_element_type3A_243, %cond3A_244 : i32
      scf.if %cond3A_245 {
        %add3A_706 = arith.constant 4 : i32
        %add3A_707 = arith.addi %add3A_237, %add3A_706 : i32
        %sub3A_708 = arith.constant 1 : i32
        %sub3A_709 = arith.subi %add3A_707, %sub3A_708 : i32
        %dma_start3A_710 = arith.constant 0 : i32
        %dma_start3A_711 = tpu.memref_slice %arg8[%sub3A_709, %dma_start3A_710] : memref<128x100xi32, #tpu.memory_space<vmem>> -> memref<1x100xi32, #tpu.memory_space<vmem>>
        %dma_start3A_712 = tpu.memref_squeeze %dma_start3A_711 : memref<1x100xi32, #tpu.memory_space<vmem>> -> memref<100xi32, #tpu.memory_space<vmem>>
        %dma_start3A_713 = arith.constant 0 : i32
        %dma_start3A_714 = arith.constant 0 : i32
        %dma_start3A_715 = tpu.memref_slice %arg3[%dma_start3A_713, %dma_start3A_714] : memref<100000x128xf32, #tpu.memory_space<hbm>> -> memref<100000x128xf32, #tpu.memory_space<hbm>>
        tpu.enqueue_indirect_dma source(%dma_start3A_715 : memref<100000x128xf32, #tpu.memory_space<hbm>>) target(%arg16 : memref<100x128xf32, #tpu.memory_space<vmem>>) offsets(%dma_start3A_712 : memref<100xi32, #tpu.memory_space<vmem>>) semaphore(%arg24 : memref<!tpu.dma_semaphore, #tpu.memory_space<semaphore_mem>>)
        %dma_start3A_716 = arith.constant 0 : i32
        %dma_start3A_717 = tpu.memref_slice %arg20[%dma_start3A_716] : memref<112xf32, #tpu.memory_space<vmem>> -> memref<100xf32, #tpu.memory_space<vmem>>
        %dma_start3A_718 = arith.constant 0 : i32
        %dma_start3A_719 = tpu.memref_slice %arg8[%sub3A_709, %dma_start3A_718] : memref<128x100xi32, #tpu.memory_space<vmem>> -> memref<1x100xi32, #tpu.memory_space<vmem>>
        %dma_start3A_720 = tpu.memref_squeeze %dma_start3A_719 : memref<1x100xi32, #tpu.memory_space<vmem>> -> memref<100xi32, #tpu.memory_space<vmem>>
        %dma_start3A_721 = arith.constant 0 : i32
        %dma_start3A_722 = tpu.memref_slice %arg11[%dma_start3A_721] : memref<100000xf32, #tpu.memory_space<vmem_shared>> -> memref<100000xf32, #tpu.memory_space<vmem_shared>>
        tpu.enqueue_indirect_dma source(%dma_start3A_722 : memref<100000xf32, #tpu.memory_space<vmem_shared>>) target(%dma_start3A_717 : memref<100xf32, #tpu.memory_space<vmem>>) offsets(%dma_start3A_720 : memref<100xi32, #tpu.memory_space<vmem>>) semaphore(%arg28 : memref<!tpu.dma_semaphore, #tpu.memory_space<semaphore_mem>>)
      } else {
      }
      %dma_wait3A_246 = arith.constant 0 : i32
      %dma_wait3A_247 = tpu.memref_slice %arg8[%add3A_237, %dma_wait3A_246] : memref<128x100xi32, #tpu.memory_space<vmem>> -> memref<1x100xi32, #tpu.memory_space<vmem>>
      %dma_wait3A_248 = tpu.memref_squeeze %dma_wait3A_247 : memref<1x100xi32, #tpu.memory_space<vmem>> -> memref<100xi32, #tpu.memory_space<vmem>>
      %dma_wait3A_249 = arith.constant 0 : i32
      %dma_wait3A_250 = arith.constant 0 : i32
      %dma_wait3A_251 = tpu.memref_slice %arg3[%dma_wait3A_249, %dma_wait3A_250] : memref<100000x128xf32, #tpu.memory_space<hbm>> -> memref<100000x128xf32, #tpu.memory_space<hbm>>
      tpu.wait_indirect_dma semaphore(%arg21 : memref<!tpu.dma_semaphore, #tpu.memory_space<semaphore_mem>>) src(%dma_wait3A_251 : memref<100000x128xf32, #tpu.memory_space<hbm>>) dst(%arg13 : memref<100x128xf32, #tpu.memory_space<vmem>>)
      %dma_wait3A_252 = arith.constant 0 : i32
      %dma_wait3A_253 = tpu.memref_slice %arg17[%dma_wait3A_252] : memref<112xf32, #tpu.memory_space<vmem>> -> memref<100xf32, #tpu.memory_space<vmem>>
      %dma_wait3A_254 = arith.constant 0 : i32
      %dma_wait3A_255 = tpu.memref_slice %arg8[%add3A_237, %dma_wait3A_254] : memref<128x100xi32, #tpu.memory_space<vmem>> -> memref<1x100xi32, #tpu.memory_space<vmem>>
      %dma_wait3A_256 = tpu.memref_squeeze %dma_wait3A_255 : memref<1x100xi32, #tpu.memory_space<vmem>> -> memref<100xi32, #tpu.memory_space<vmem>>
      %dma_wait3A_257 = arith.constant 0 : i32
      %dma_wait3A_258 = tpu.memref_slice %arg11[%dma_wait3A_257] : memref<100000xf32, #tpu.memory_space<vmem_shared>> -> memref<100000xf32, #tpu.memory_space<vmem_shared>>
      tpu.wait_indirect_dma semaphore(%arg25 : memref<!tpu.dma_semaphore, #tpu.memory_space<semaphore_mem>>) src(%dma_wait3A_258 : memref<100000xf32, #tpu.memory_space<vmem_shared>>) dst(%dma_wait3A_253 : memref<100xf32, #tpu.memory_space<vmem>>)
      %broadcast_in_dim3A_259 = arith.constant 0.000000e+00 : f32
      %broadcast_in_dim3A_260 = vector.broadcast %broadcast_in_dim3A_259 : f32 to vector<16xf32>
      %broadcast_in_dim3A_261 = arith.constant 0.000000e+00 : f32
      %broadcast_in_dim3A_262 = vector.broadcast %broadcast_in_dim3A_261 : f32 to vector<16xf32>
      %broadcast_in_dim3A_263 = arith.constant 0.000000e+00 : f32
      %broadcast_in_dim3A_264 = vector.broadcast %broadcast_in_dim3A_263 : f32 to vector<16xf32>
      %broadcast_in_dim3A_265 = arith.constant 0.000000e+00 : f32
      %broadcast_in_dim3A_266 = vector.broadcast %broadcast_in_dim3A_265 : f32 to vector<16xf32>
      %broadcast_in_dim3A_267 = arith.constant 0.000000e+00 : f32
      %broadcast_in_dim3A_268 = vector.broadcast %broadcast_in_dim3A_267 : f32 to vector<16xf32>
      %broadcast_in_dim3A_269 = arith.constant 0.000000e+00 : f32
      %broadcast_in_dim3A_270 = vector.broadcast %broadcast_in_dim3A_269 : f32 to vector<16xf32>
      %broadcast_in_dim3A_271 = arith.constant 0.000000e+00 : f32
      %broadcast_in_dim3A_272 = vector.broadcast %broadcast_in_dim3A_271 : f32 to vector<16xf32>
      %broadcast_in_dim3A_273 = arith.constant 0.000000e+00 : f32
      %broadcast_in_dim3A_274 = vector.broadcast %broadcast_in_dim3A_273 : f32 to vector<16xf32>
      %broadcast_in_dim3A_275 = arith.constant 0.000000e+00 : f32
      %broadcast_in_dim3A_276 = vector.broadcast %broadcast_in_dim3A_275 : f32 to vector<16xf32>
      %broadcast_in_dim3A_277 = arith.constant 0.000000e+00 : f32
      %broadcast_in_dim3A_278 = vector.broadcast %broadcast_in_dim3A_277 : f32 to vector<16xf32>
      %broadcast_in_dim3A_279 = arith.constant 0.000000e+00 : f32
      %broadcast_in_dim3A_280 = vector.broadcast %broadcast_in_dim3A_279 : f32 to vector<16xf32>
      %broadcast_in_dim3A_281 = arith.constant 0.000000e+00 : f32
      %broadcast_in_dim3A_282 = vector.broadcast %broadcast_in_dim3A_281 : f32 to vector<16xf32>
      %broadcast_in_dim3A_283 = arith.constant 0.000000e+00 : f32
      %broadcast_in_dim3A_284 = vector.broadcast %broadcast_in_dim3A_283 : f32 to vector<16xf32>
      %broadcast_in_dim3A_285 = arith.constant 0.000000e+00 : f32
      %broadcast_in_dim3A_286 = vector.broadcast %broadcast_in_dim3A_285 : f32 to vector<16xf32>
      %broadcast_in_dim3A_287 = arith.constant 0.000000e+00 : f32
      %broadcast_in_dim3A_288 = vector.broadcast %broadcast_in_dim3A_287 : f32 to vector<16xf32>
      %broadcast_in_dim3A_289 = arith.constant 0.000000e+00 : f32
      %broadcast_in_dim3A_290 = vector.broadcast %broadcast_in_dim3A_289 : f32 to vector<16xf32>
      %parallel_loop3A = arith.constant 0 : i32
      %parallel_loop3A_291 = arith.constant 100 : i32
      %parallel_loop3A_292 = arith.constant 1 : i32
      %parallel_loop3A_293:16 = scf.for %parallel_loop3A_706 = %parallel_loop3A to %parallel_loop3A_291 step %parallel_loop3A_292 iter_args(%parallel_loop3A_707 = %broadcast_in_dim3A_260, %parallel_loop3A_708 = %broadcast_in_dim3A_262, %parallel_loop3A_709 = %broadcast_in_dim3A_264, %parallel_loop3A_710 = %broadcast_in_dim3A_266, %parallel_loop3A_711 = %broadcast_in_dim3A_268, %parallel_loop3A_712 = %broadcast_in_dim3A_270, %parallel_loop3A_713 = %broadcast_in_dim3A_272, %parallel_loop3A_714 = %broadcast_in_dim3A_274, %parallel_loop3A_715 = %broadcast_in_dim3A_276, %parallel_loop3A_716 = %broadcast_in_dim3A_278, %parallel_loop3A_717 = %broadcast_in_dim3A_280, %parallel_loop3A_718 = %broadcast_in_dim3A_282, %parallel_loop3A_719 = %broadcast_in_dim3A_284, %parallel_loop3A_720 = %broadcast_in_dim3A_286, %parallel_loop3A_721 = %broadcast_in_dim3A_288, %parallel_loop3A_722 = %broadcast_in_dim3A_290) -> (vector<16xf32>, vector<16xf32>, vector<16xf32>, vector<16xf32>, vector<16xf32>, vector<16xf32>, vector<16xf32>, vector<16xf32>, vector<16xf32>, vector<16xf32>, vector<16xf32>, vector<16xf32>, vector<16xf32>, vector<16xf32>, vector<16xf32>, vector<16xf32>)  : i32 {
        %parallel_loop3A_723 = arith.index_cast %parallel_loop3A_706 : i32 to index
        %parallel_loop3A_724 = arith.constant 0 : index
        %parallel_loop3A_725 = tpu.vector_load %arg13[%parallel_loop3A_723, %parallel_loop3A_724] {strides = array<i32>} : memref<100x128xf32, #tpu.memory_space<vmem>>, vector<16xf32>,
        %parallel_loop3A_726 = arith.addf %parallel_loop3A_707, %parallel_loop3A_725 : vector<16xf32>
        %parallel_loop3A_727 = arith.mulf %parallel_loop3A_725, %parallel_loop3A_725 : vector<16xf32>
        %parallel_loop3A_728 = arith.addf %parallel_loop3A_715, %parallel_loop3A_727 : vector<16xf32>
        %parallel_loop3A_729 = arith.index_cast %parallel_loop3A_706 : i32 to index
        %parallel_loop3A_730 = arith.constant 16 : index
        %parallel_loop3A_731 = tpu.vector_load %arg13[%parallel_loop3A_729, %parallel_loop3A_730] {strides = array<i32>} : memref<100x128xf32, #tpu.memory_space<vmem>>, vector<16xf32>,
        %parallel_loop3A_732 = arith.addf %parallel_loop3A_708, %parallel_loop3A_731 : vector<16xf32>
        %parallel_loop3A_733 = arith.mulf %parallel_loop3A_731, %parallel_loop3A_731 : vector<16xf32>
        %parallel_loop3A_734 = arith.addf %parallel_loop3A_716, %parallel_loop3A_733 : vector<16xf32>
        %parallel_loop3A_735 = arith.index_cast %parallel_loop3A_706 : i32 to index
        %parallel_loop3A_736 = arith.constant 32 : index
        %parallel_loop3A_737 = tpu.vector_load %arg13[%parallel_loop3A_735, %parallel_loop3A_736] {strides = array<i32>} : memref<100x128xf32, #tpu.memory_space<vmem>>, vector<16xf32>,
        %parallel_loop3A_738 = arith.addf %parallel_loop3A_709, %parallel_loop3A_737 : vector<16xf32>
        %parallel_loop3A_739 = arith.mulf %parallel_loop3A_737, %parallel_loop3A_737 : vector<16xf32>
        %parallel_loop3A_740 = arith.addf %parallel_loop3A_717, %parallel_loop3A_739 : vector<16xf32>
        %parallel_loop3A_741 = arith.index_cast %parallel_loop3A_706 : i32 to index
        %parallel_loop3A_742 = arith.constant 48 : index
        %parallel_loop3A_743 = tpu.vector_load %arg13[%parallel_loop3A_741, %parallel_loop3A_742] {strides = array<i32>} : memref<100x128xf32, #tpu.memory_space<vmem>>, vector<16xf32>,
        %parallel_loop3A_744 = arith.addf %parallel_loop3A_710, %parallel_loop3A_743 : vector<16xf32>
        %parallel_loop3A_745 = arith.mulf %parallel_loop3A_743, %parallel_loop3A_743 : vector<16xf32>
        %parallel_loop3A_746 = arith.addf %parallel_loop3A_718, %parallel_loop3A_745 : vector<16xf32>
        %parallel_loop3A_747 = arith.index_cast %parallel_loop3A_706 : i32 to index
        %parallel_loop3A_748 = arith.constant 64 : index
        %parallel_loop3A_749 = tpu.vector_load %arg13[%parallel_loop3A_747, %parallel_loop3A_748] {strides = array<i32>} : memref<100x128xf32, #tpu.memory_space<vmem>>, vector<16xf32>,
        %parallel_loop3A_750 = arith.addf %parallel_loop3A_711, %parallel_loop3A_749 : vector<16xf32>
        %parallel_loop3A_751 = arith.mulf %parallel_loop3A_749, %parallel_loop3A_749 : vector<16xf32>
        %parallel_loop3A_752 = arith.addf %parallel_loop3A_719, %parallel_loop3A_751 : vector<16xf32>
        %parallel_loop3A_753 = arith.index_cast %parallel_loop3A_706 : i32 to index
        %parallel_loop3A_754 = arith.constant 80 : index
        %parallel_loop3A_755 = tpu.vector_load %arg13[%parallel_loop3A_753, %parallel_loop3A_754] {strides = array<i32>} : memref<100x128xf32, #tpu.memory_space<vmem>>, vector<16xf32>,
        %parallel_loop3A_756 = arith.addf %parallel_loop3A_712, %parallel_loop3A_755 : vector<16xf32>
        %parallel_loop3A_757 = arith.mulf %parallel_loop3A_755, %parallel_loop3A_755 : vector<16xf32>
        %parallel_loop3A_758 = arith.addf %parallel_loop3A_720, %parallel_loop3A_757 : vector<16xf32>
        %parallel_loop3A_759 = arith.index_cast %parallel_loop3A_706 : i32 to index
        %parallel_loop3A_760 = arith.constant 96 : index
        %parallel_loop3A_761 = tpu.vector_load %arg13[%parallel_loop3A_759, %parallel_loop3A_760] {strides = array<i32>} : memref<100x128xf32, #tpu.memory_space<vmem>>, vector<16xf32>,
        %parallel_loop3A_762 = arith.addf %parallel_loop3A_713, %parallel_loop3A_761 : vector<16xf32>
        %parallel_loop3A_763 = arith.mulf %parallel_loop3A_761, %parallel_loop3A_761 : vector<16xf32>
        %parallel_loop3A_764 = arith.addf %parallel_loop3A_721, %parallel_loop3A_763 : vector<16xf32>
        %parallel_loop3A_765 = arith.index_cast %parallel_loop3A_706 : i32 to index
        %parallel_loop3A_766 = arith.constant 112 : index
        %parallel_loop3A_767 = tpu.vector_load %arg13[%parallel_loop3A_765, %parallel_loop3A_766] {strides = array<i32>} : memref<100x128xf32, #tpu.memory_space<vmem>>, vector<16xf32>,
        %parallel_loop3A_768 = arith.addf %parallel_loop3A_714, %parallel_loop3A_767 : vector<16xf32>
        %parallel_loop3A_769 = arith.mulf %parallel_loop3A_767, %parallel_loop3A_767 : vector<16xf32>
        %parallel_loop3A_770 = arith.addf %parallel_loop3A_722, %parallel_loop3A_769 : vector<16xf32>
        scf.yield %parallel_loop3A_726, %parallel_loop3A_732, %parallel_loop3A_738, %parallel_loop3A_744, %parallel_loop3A_750, %parallel_loop3A_756, %parallel_loop3A_762, %parallel_loop3A_768, %parallel_loop3A_728, %parallel_loop3A_734, %parallel_loop3A_740, %parallel_loop3A_746, %parallel_loop3A_752, %parallel_loop3A_758, %parallel_loop3A_764, %parallel_loop3A_770 : vector<16xf32>, vector<16xf32>, vector<16xf32>, vector<16xf32>, vector<16xf32>, vector<16xf32>, vector<16xf32>, vector<16xf32>, vector<16xf32>, vector<16xf32>, vector<16xf32>, vector<16xf32>, vector<16xf32>, vector<16xf32>, vector<16xf32>, vector<16xf32>
      } {sc.loop_unroll_factor = 4 : i64, sc.parallel_access}
      %mul3A_294 = arith.mulf %parallel_loop3A_293#0, %parallel_loop3A_293#0 : vector<16xf32>
      %mul3A_295 = arith.mulf %parallel_loop3A_293#1, %parallel_loop3A_293#1 : vector<16xf32>
      %add3A_296 = arith.addf %mul3A_294, %mul3A_295 : vector<16xf32>
      %add3A_297 = arith.addf %parallel_loop3A_293#8, %parallel_loop3A_293#9 : vector<16xf32>
      %mul3A_298 = arith.mulf %parallel_loop3A_293#2, %parallel_loop3A_293#2 : vector<16xf32>
      %add3A_299 = arith.addf %add3A_296, %mul3A_298 : vector<16xf32>
      %add3A_300 = arith.addf %add3A_297, %parallel_loop3A_293#10 : vector<16xf32>
      %mul3A_301 = arith.mulf %parallel_loop3A_293#3, %parallel_loop3A_293#3 : vector<16xf32>
      %add3A_302 = arith.addf %add3A_299, %mul3A_301 : vector<16xf32>
      %add3A_303 = arith.addf %add3A_300, %parallel_loop3A_293#11 : vector<16xf32>
      %mul3A_304 = arith.mulf %parallel_loop3A_293#4, %parallel_loop3A_293#4 : vector<16xf32>
      %add3A_305 = arith.addf %add3A_302, %mul3A_304 : vector<16xf32>
      %add3A_306 = arith.addf %add3A_303, %parallel_loop3A_293#12 : vector<16xf32>
      %mul3A_307 = arith.mulf %parallel_loop3A_293#5, %parallel_loop3A_293#5 : vector<16xf32>
      %add3A_308 = arith.addf %add3A_305, %mul3A_307 : vector<16xf32>
      %add3A_309 = arith.addf %add3A_306, %parallel_loop3A_293#13 : vector<16xf32>
      %mul3A_310 = arith.mulf %parallel_loop3A_293#6, %parallel_loop3A_293#6 : vector<16xf32>
      %add3A_311 = arith.addf %add3A_308, %mul3A_310 : vector<16xf32>
      %add3A_312 = arith.addf %add3A_309, %parallel_loop3A_293#14 : vector<16xf32>
      %mul3A_313 = arith.mulf %parallel_loop3A_293#7, %parallel_loop3A_293#7 : vector<16xf32>
      %add3A_314 = arith.addf %add3A_311, %mul3A_313 : vector<16xf32>
      %add3A_315 = arith.addf %add3A_312, %parallel_loop3A_293#15 : vector<16xf32>
      %get3A_316 = arith.constant 0 : index
      %get3A_317 = tpu.vector_load %arg17[%get3A_316] {strides = array<i32>} : memref<112xf32, #tpu.memory_space<vmem>>, vector<16xf32>,
      %get3A_318 = arith.constant 16 : index
      %get3A_319 = tpu.vector_load %arg17[%get3A_318] {strides = array<i32>} : memref<112xf32, #tpu.memory_space<vmem>>, vector<16xf32>,
      %add3A_320 = arith.addf %get3A_317, %get3A_319 : vector<16xf32>
      %get3A_321 = arith.constant 32 : index
      %get3A_322 = tpu.vector_load %arg17[%get3A_321] {strides = array<i32>} : memref<112xf32, #tpu.memory_space<vmem>>, vector<16xf32>,
      %add3A_323 = arith.addf %add3A_320, %get3A_322 : vector<16xf32>
      %get3A_324 = arith.constant 48 : index
      %get3A_325 = tpu.vector_load %arg17[%get3A_324] {strides = array<i32>} : memref<112xf32, #tpu.memory_space<vmem>>, vector<16xf32>,
      %add3A_326 = arith.addf %add3A_323, %get3A_325 : vector<16xf32>
      %get3A_327 = arith.constant 64 : index
      %get3A_328 = tpu.vector_load %arg17[%get3A_327] {strides = array<i32>} : memref<112xf32, #tpu.memory_space<vmem>>, vector<16xf32>,
      %add3A_329 = arith.addf %add3A_326, %get3A_328 : vector<16xf32>
      %get3A_330 = arith.constant 80 : index
      %get3A_331 = tpu.vector_load %arg17[%get3A_330] {strides = array<i32>} : memref<112xf32, #tpu.memory_space<vmem>>, vector<16xf32>,
      %add3A_332 = arith.addf %add3A_329, %get3A_331 : vector<16xf32>
      %get3A_333 = arith.constant 96 : index
      %get3A_334 = tpu.vector_load %arg17[%get3A_333] {strides = array<i32>} : memref<112xf32, #tpu.memory_space<vmem>>, vector<16xf32>,
      %add3A_335 = arith.addf %add3A_332, %get3A_334 : vector<16xf32>
      %sub3A_336 = arith.subf %add3A_314, %add3A_315 : vector<16xf32>
      %mul3A_337 = arith.constant 5.000000e-01 : f32
      %mul3A_338 = vector.broadcast %mul3A_337 : f32 to vector<16xf32>
      %mul3A_339 = arith.mulf %mul3A_338, %sub3A_336 : vector<16xf32>
      %add3A_340 = arith.addf %add3A_335, %mul3A_339 : vector<16xf32>
      %reduce_sum3A = arith.constant true
      %reduce_sum3A_341 = vector.broadcast %reduce_sum3A : i1 to vector<16xi1>
      %reduce_sum3A_342 = tpu.scan <sum>, %add3A_340 masked %reduce_sum3A_341 : vector<16xf32>, vector<16xi1> -> vector<16xf32>
      %reduce_sum3A_343 = vector.extract %reduce_sum3A_342[15] : f32 from vector<16xf32>
      %broadcast_in_dim3A_344 = vector.broadcast %add3A_237 : i32 to vector<16xi32>
      %broadcast_in_dim3A_345 = vector.broadcast %reduce_sum3A_343 : f32 to vector<16xf32>
      %iota3A = tpu.iota {dimensions = array<i32: 0>} : vector<16xi32>
      %eq3A_346 = arith.constant 0 : i32
      %eq3A_347 = vector.broadcast %eq3A_346 : i32 to vector<16xi32>
      %eq3A_348 = arith.cmpi eq, %iota3A, %eq3A_347 : vector<16xi32>
      tpu.vector_store_idx %arg9[%broadcast_in_dim3A_344], %broadcast_in_dim3A_345 masked %eq3A_348 : memref<128xf32, #tpu.memory_space<vmem>>[vector<16xi32>], vector<16xf32>, vector<16xi1>
      %mul3A_349 = arith.constant 4 : i32
      %mul3A_350 = arith.muli %mul3A_349, %scan3A_233 : i32
      %add3A_351 = arith.constant 1 : i32
      %add3A_352 = arith.addi %mul3A_350, %add3A_351 : i32
      %add3A_353 = arith.constant 4 : i32
      %add3A_354 = arith.addi %add3A_352, %add3A_353 : i32
      %sub3A_355 = arith.constant 1 : i32
      %sub3A_356 = arith.subi %add3A_354, %sub3A_355 : i32
      %lt3A_357 = arith.constant 128 : i32
      %lt3A_358 = arith.cmpi slt, %sub3A_356, %lt3A_357 : i32
      %convert_element_type3A_359 = arith.extui %lt3A_358 : i1 to i32
      %cond3A_360 = arith.constant 0 : i32
      %cond3A_361 = arith.cmpi ne, %convert_element_type3A_359, %cond3A_360 : i32
      scf.if %cond3A_361 {
        %add3A_706 = arith.constant 4 : i32
        %add3A_707 = arith.addi %add3A_352, %add3A_706 : i32
        %sub3A_708 = arith.constant 1 : i32
        %sub3A_709 = arith.subi %add3A_707, %sub3A_708 : i32
        %dma_start3A_710 = arith.constant 0 : i32
        %dma_start3A_711 = tpu.memref_slice %arg8[%sub3A_709, %dma_start3A_710] : memref<128x100xi32, #tpu.memory_space<vmem>> -> memref<1x100xi32, #tpu.memory_space<vmem>>
        %dma_start3A_712 = tpu.memref_squeeze %dma_start3A_711 : memref<1x100xi32, #tpu.memory_space<vmem>> -> memref<100xi32, #tpu.memory_space<vmem>>
        %dma_start3A_713 = arith.constant 0 : i32
        %dma_start3A_714 = arith.constant 0 : i32
        %dma_start3A_715 = tpu.memref_slice %arg3[%dma_start3A_713, %dma_start3A_714] : memref<100000x128xf32, #tpu.memory_space<hbm>> -> memref<100000x128xf32, #tpu.memory_space<hbm>>
        tpu.enqueue_indirect_dma source(%dma_start3A_715 : memref<100000x128xf32, #tpu.memory_space<hbm>>) target(%arg13 : memref<100x128xf32, #tpu.memory_space<vmem>>) offsets(%dma_start3A_712 : memref<100xi32, #tpu.memory_space<vmem>>) semaphore(%arg21 : memref<!tpu.dma_semaphore, #tpu.memory_space<semaphore_mem>>)
        %dma_start3A_716 = arith.constant 0 : i32
        %dma_start3A_717 = tpu.memref_slice %arg17[%dma_start3A_716] : memref<112xf32, #tpu.memory_space<vmem>> -> memref<100xf32, #tpu.memory_space<vmem>>
        %dma_start3A_718 = arith.constant 0 : i32
        %dma_start3A_719 = tpu.memref_slice %arg8[%sub3A_709, %dma_start3A_718] : memref<128x100xi32, #tpu.memory_space<vmem>> -> memref<1x100xi32, #tpu.memory_space<vmem>>
        %dma_start3A_720 = tpu.memref_squeeze %dma_start3A_719 : memref<1x100xi32, #tpu.memory_space<vmem>> -> memref<100xi32, #tpu.memory_space<vmem>>
        %dma_start3A_721 = arith.constant 0 : i32
        %dma_start3A_722 = tpu.memref_slice %arg11[%dma_start3A_721] : memref<100000xf32, #tpu.memory_space<vmem_shared>> -> memref<100000xf32, #tpu.memory_space<vmem_shared>>
        tpu.enqueue_indirect_dma source(%dma_start3A_722 : memref<100000xf32, #tpu.memory_space<vmem_shared>>) target(%dma_start3A_717 : memref<100xf32, #tpu.memory_space<vmem>>) offsets(%dma_start3A_720 : memref<100xi32, #tpu.memory_space<vmem>>) semaphore(%arg25 : memref<!tpu.dma_semaphore, #tpu.memory_space<semaphore_mem>>)
      } else {
      }
      %dma_wait3A_362 = arith.constant 0 : i32
      %dma_wait3A_363 = tpu.memref_slice %arg8[%add3A_352, %dma_wait3A_362] : memref<128x100xi32, #tpu.memory_space<vmem>> -> memref<1x100xi32, #tpu.memory_space<vmem>>
      %dma_wait3A_364 = tpu.memref_squeeze %dma_wait3A_363 : memref<1x100xi32, #tpu.memory_space<vmem>> -> memref<100xi32, #tpu.memory_space<vmem>>
      %dma_wait3A_365 = arith.constant 0 : i32
      %dma_wait3A_366 = arith.constant 0 : i32
      %dma_wait3A_367 = tpu.memref_slice %arg3[%dma_wait3A_365, %dma_wait3A_366] : memref<100000x128xf32, #tpu.memory_space<hbm>> -> memref<100000x128xf32, #tpu.memory_space<hbm>>
      tpu.wait_indirect_dma semaphore(%arg22 : memref<!tpu.dma_semaphore, #tpu.memory_space<semaphore_mem>>) src(%dma_wait3A_367 : memref<100000x128xf32, #tpu.memory_space<hbm>>) dst(%arg14 : memref<100x128xf32, #tpu.memory_space<vmem>>)
      %dma_wait3A_368 = arith.constant 0 : i32
      %dma_wait3A_369 = tpu.memref_slice %arg18[%dma_wait3A_368] : memref<112xf32, #tpu.memory_space<vmem>> -> memref<100xf32, #tpu.memory_space<vmem>>
      %dma_wait3A_370 = arith.constant 0 : i32
      %dma_wait3A_371 = tpu.memref_slice %arg8[%add3A_352, %dma_wait3A_370] : memref<128x100xi32, #tpu.memory_space<vmem>> -> memref<1x100xi32, #tpu.memory_space<vmem>>
      %dma_wait3A_372 = tpu.memref_squeeze %dma_wait3A_371 : memref<1x100xi32, #tpu.memory_space<vmem>> -> memref<100xi32, #tpu.memory_space<vmem>>
      %dma_wait3A_373 = arith.constant 0 : i32
      %dma_wait3A_374 = tpu.memref_slice %arg11[%dma_wait3A_373] : memref<100000xf32, #tpu.memory_space<vmem_shared>> -> memref<100000xf32, #tpu.memory_space<vmem_shared>>
      tpu.wait_indirect_dma semaphore(%arg26 : memref<!tpu.dma_semaphore, #tpu.memory_space<semaphore_mem>>) src(%dma_wait3A_374 : memref<100000xf32, #tpu.memory_space<vmem_shared>>) dst(%dma_wait3A_369 : memref<100xf32, #tpu.memory_space<vmem>>)
      %broadcast_in_dim3A_375 = arith.constant 0.000000e+00 : f32
      %broadcast_in_dim3A_376 = vector.broadcast %broadcast_in_dim3A_375 : f32 to vector<16xf32>
      %broadcast_in_dim3A_377 = arith.constant 0.000000e+00 : f32
      %broadcast_in_dim3A_378 = vector.broadcast %broadcast_in_dim3A_377 : f32 to vector<16xf32>
      %broadcast_in_dim3A_379 = arith.constant 0.000000e+00 : f32
      %broadcast_in_dim3A_380 = vector.broadcast %broadcast_in_dim3A_379 : f32 to vector<16xf32>
      %broadcast_in_dim3A_381 = arith.constant 0.000000e+00 : f32
      %broadcast_in_dim3A_382 = vector.broadcast %broadcast_in_dim3A_381 : f32 to vector<16xf32>
      %broadcast_in_dim3A_383 = arith.constant 0.000000e+00 : f32
      %broadcast_in_dim3A_384 = vector.broadcast %broadcast_in_dim3A_383 : f32 to vector<16xf32>
      %broadcast_in_dim3A_385 = arith.constant 0.000000e+00 : f32
      %broadcast_in_dim3A_386 = vector.broadcast %broadcast_in_dim3A_385 : f32 to vector<16xf32>
      %broadcast_in_dim3A_387 = arith.constant 0.000000e+00 : f32
      %broadcast_in_dim3A_388 = vector.broadcast %broadcast_in_dim3A_387 : f32 to vector<16xf32>
      %broadcast_in_dim3A_389 = arith.constant 0.000000e+00 : f32
      %broadcast_in_dim3A_390 = vector.broadcast %broadcast_in_dim3A_389 : f32 to vector<16xf32>
      %broadcast_in_dim3A_391 = arith.constant 0.000000e+00 : f32
      %broadcast_in_dim3A_392 = vector.broadcast %broadcast_in_dim3A_391 : f32 to vector<16xf32>
      %broadcast_in_dim3A_393 = arith.constant 0.000000e+00 : f32
      %broadcast_in_dim3A_394 = vector.broadcast %broadcast_in_dim3A_393 : f32 to vector<16xf32>
      %broadcast_in_dim3A_395 = arith.constant 0.000000e+00 : f32
      %broadcast_in_dim3A_396 = vector.broadcast %broadcast_in_dim3A_395 : f32 to vector<16xf32>
      %broadcast_in_dim3A_397 = arith.constant 0.000000e+00 : f32
      %broadcast_in_dim3A_398 = vector.broadcast %broadcast_in_dim3A_397 : f32 to vector<16xf32>
      %broadcast_in_dim3A_399 = arith.constant 0.000000e+00 : f32
      %broadcast_in_dim3A_400 = vector.broadcast %broadcast_in_dim3A_399 : f32 to vector<16xf32>
      %broadcast_in_dim3A_401 = arith.constant 0.000000e+00 : f32
      %broadcast_in_dim3A_402 = vector.broadcast %broadcast_in_dim3A_401 : f32 to vector<16xf32>
      %broadcast_in_dim3A_403 = arith.constant 0.000000e+00 : f32
      %broadcast_in_dim3A_404 = vector.broadcast %broadcast_in_dim3A_403 : f32 to vector<16xf32>
      %broadcast_in_dim3A_405 = arith.constant 0.000000e+00 : f32
      %broadcast_in_dim3A_406 = vector.broadcast %broadcast_in_dim3A_405 : f32 to vector<16xf32>
      %parallel_loop3A_407 = arith.constant 0 : i32
      %parallel_loop3A_408 = arith.constant 100 : i32
      %parallel_loop3A_409 = arith.constant 1 : i32
      %parallel_loop3A_410:16 = scf.for %parallel_loop3A_706 = %parallel_loop3A_407 to %parallel_loop3A_408 step %parallel_loop3A_409 iter_args(%parallel_loop3A_707 = %broadcast_in_dim3A_376, %parallel_loop3A_708 = %broadcast_in_dim3A_378, %parallel_loop3A_709 = %broadcast_in_dim3A_380, %parallel_loop3A_710 = %broadcast_in_dim3A_382, %parallel_loop3A_711 = %broadcast_in_dim3A_384, %parallel_loop3A_712 = %broadcast_in_dim3A_386, %parallel_loop3A_713 = %broadcast_in_dim3A_388, %parallel_loop3A_714 = %broadcast_in_dim3A_390, %parallel_loop3A_715 = %broadcast_in_dim3A_392, %parallel_loop3A_716 = %broadcast_in_dim3A_394, %parallel_loop3A_717 = %broadcast_in_dim3A_396, %parallel_loop3A_718 = %broadcast_in_dim3A_398, %parallel_loop3A_719 = %broadcast_in_dim3A_400, %parallel_loop3A_720 = %broadcast_in_dim3A_402, %parallel_loop3A_721 = %broadcast_in_dim3A_404, %parallel_loop3A_722 = %broadcast_in_dim3A_406) -> (vector<16xf32>, vector<16xf32>, vector<16xf32>, vector<16xf32>, vector<16xf32>, vector<16xf32>, vector<16xf32>, vector<16xf32>, vector<16xf32>, vector<16xf32>, vector<16xf32>, vector<16xf32>, vector<16xf32>, vector<16xf32>, vector<16xf32>, vector<16xf32>)  : i32 {
        %parallel_loop3A_723 = arith.index_cast %parallel_loop3A_706 : i32 to index
        %parallel_loop3A_724 = arith.constant 0 : index
        %parallel_loop3A_725 = tpu.vector_load %arg14[%parallel_loop3A_723, %parallel_loop3A_724] {strides = array<i32>} : memref<100x128xf32, #tpu.memory_space<vmem>>, vector<16xf32>,
        %parallel_loop3A_726 = arith.addf %parallel_loop3A_707, %parallel_loop3A_725 : vector<16xf32>
        %parallel_loop3A_727 = arith.mulf %parallel_loop3A_725, %parallel_loop3A_725 : vector<16xf32>
        %parallel_loop3A_728 = arith.addf %parallel_loop3A_715, %parallel_loop3A_727 : vector<16xf32>
        %parallel_loop3A_729 = arith.index_cast %parallel_loop3A_706 : i32 to index
        %parallel_loop3A_730 = arith.constant 16 : index
        %parallel_loop3A_731 = tpu.vector_load %arg14[%parallel_loop3A_729, %parallel_loop3A_730] {strides = array<i32>} : memref<100x128xf32, #tpu.memory_space<vmem>>, vector<16xf32>,
        %parallel_loop3A_732 = arith.addf %parallel_loop3A_708, %parallel_loop3A_731 : vector<16xf32>
        %parallel_loop3A_733 = arith.mulf %parallel_loop3A_731, %parallel_loop3A_731 : vector<16xf32>
        %parallel_loop3A_734 = arith.addf %parallel_loop3A_716, %parallel_loop3A_733 : vector<16xf32>
        %parallel_loop3A_735 = arith.index_cast %parallel_loop3A_706 : i32 to index
        %parallel_loop3A_736 = arith.constant 32 : index
        %parallel_loop3A_737 = tpu.vector_load %arg14[%parallel_loop3A_735, %parallel_loop3A_736] {strides = array<i32>} : memref<100x128xf32, #tpu.memory_space<vmem>>, vector<16xf32>,
        %parallel_loop3A_738 = arith.addf %parallel_loop3A_709, %parallel_loop3A_737 : vector<16xf32>
        %parallel_loop3A_739 = arith.mulf %parallel_loop3A_737, %parallel_loop3A_737 : vector<16xf32>
        %parallel_loop3A_740 = arith.addf %parallel_loop3A_717, %parallel_loop3A_739 : vector<16xf32>
        %parallel_loop3A_741 = arith.index_cast %parallel_loop3A_706 : i32 to index
        %parallel_loop3A_742 = arith.constant 48 : index
        %parallel_loop3A_743 = tpu.vector_load %arg14[%parallel_loop3A_741, %parallel_loop3A_742] {strides = array<i32>} : memref<100x128xf32, #tpu.memory_space<vmem>>, vector<16xf32>,
        %parallel_loop3A_744 = arith.addf %parallel_loop3A_710, %parallel_loop3A_743 : vector<16xf32>
        %parallel_loop3A_745 = arith.mulf %parallel_loop3A_743, %parallel_loop3A_743 : vector<16xf32>
        %parallel_loop3A_746 = arith.addf %parallel_loop3A_718, %parallel_loop3A_745 : vector<16xf32>
        %parallel_loop3A_747 = arith.index_cast %parallel_loop3A_706 : i32 to index
        %parallel_loop3A_748 = arith.constant 64 : index
        %parallel_loop3A_749 = tpu.vector_load %arg14[%parallel_loop3A_747, %parallel_loop3A_748] {strides = array<i32>} : memref<100x128xf32, #tpu.memory_space<vmem>>, vector<16xf32>,
        %parallel_loop3A_750 = arith.addf %parallel_loop3A_711, %parallel_loop3A_749 : vector<16xf32>
        %parallel_loop3A_751 = arith.mulf %parallel_loop3A_749, %parallel_loop3A_749 : vector<16xf32>
        %parallel_loop3A_752 = arith.addf %parallel_loop3A_719, %parallel_loop3A_751 : vector<16xf32>
        %parallel_loop3A_753 = arith.index_cast %parallel_loop3A_706 : i32 to index
        %parallel_loop3A_754 = arith.constant 80 : index
        %parallel_loop3A_755 = tpu.vector_load %arg14[%parallel_loop3A_753, %parallel_loop3A_754] {strides = array<i32>} : memref<100x128xf32, #tpu.memory_space<vmem>>, vector<16xf32>,
        %parallel_loop3A_756 = arith.addf %parallel_loop3A_712, %parallel_loop3A_755 : vector<16xf32>
        %parallel_loop3A_757 = arith.mulf %parallel_loop3A_755, %parallel_loop3A_755 : vector<16xf32>
        %parallel_loop3A_758 = arith.addf %parallel_loop3A_720, %parallel_loop3A_757 : vector<16xf32>
        %parallel_loop3A_759 = arith.index_cast %parallel_loop3A_706 : i32 to index
        %parallel_loop3A_760 = arith.constant 96 : index
        %parallel_loop3A_761 = tpu.vector_load %arg14[%parallel_loop3A_759, %parallel_loop3A_760] {strides = array<i32>} : memref<100x128xf32, #tpu.memory_space<vmem>>, vector<16xf32>,
        %parallel_loop3A_762 = arith.addf %parallel_loop3A_713, %parallel_loop3A_761 : vector<16xf32>
        %parallel_loop3A_763 = arith.mulf %parallel_loop3A_761, %parallel_loop3A_761 : vector<16xf32>
        %parallel_loop3A_764 = arith.addf %parallel_loop3A_721, %parallel_loop3A_763 : vector<16xf32>
        %parallel_loop3A_765 = arith.index_cast %parallel_loop3A_706 : i32 to index
        %parallel_loop3A_766 = arith.constant 112 : index
        %parallel_loop3A_767 = tpu.vector_load %arg14[%parallel_loop3A_765, %parallel_loop3A_766] {strides = array<i32>} : memref<100x128xf32, #tpu.memory_space<vmem>>, vector<16xf32>,
        %parallel_loop3A_768 = arith.addf %parallel_loop3A_714, %parallel_loop3A_767 : vector<16xf32>
        %parallel_loop3A_769 = arith.mulf %parallel_loop3A_767, %parallel_loop3A_767 : vector<16xf32>
        %parallel_loop3A_770 = arith.addf %parallel_loop3A_722, %parallel_loop3A_769 : vector<16xf32>
        scf.yield %parallel_loop3A_726, %parallel_loop3A_732, %parallel_loop3A_738, %parallel_loop3A_744, %parallel_loop3A_750, %parallel_loop3A_756, %parallel_loop3A_762, %parallel_loop3A_768, %parallel_loop3A_728, %parallel_loop3A_734, %parallel_loop3A_740, %parallel_loop3A_746, %parallel_loop3A_752, %parallel_loop3A_758, %parallel_loop3A_764, %parallel_loop3A_770 : vector<16xf32>, vector<16xf32>, vector<16xf32>, vector<16xf32>, vector<16xf32>, vector<16xf32>, vector<16xf32>, vector<16xf32>, vector<16xf32>, vector<16xf32>, vector<16xf32>, vector<16xf32>, vector<16xf32>, vector<16xf32>, vector<16xf32>, vector<16xf32>
      } {sc.loop_unroll_factor = 4 : i64, sc.parallel_access}
      %mul3A_411 = arith.mulf %parallel_loop3A_410#0, %parallel_loop3A_410#0 : vector<16xf32>
      %mul3A_412 = arith.mulf %parallel_loop3A_410#1, %parallel_loop3A_410#1 : vector<16xf32>
      %add3A_413 = arith.addf %mul3A_411, %mul3A_412 : vector<16xf32>
      %add3A_414 = arith.addf %parallel_loop3A_410#8, %parallel_loop3A_410#9 : vector<16xf32>
      %mul3A_415 = arith.mulf %parallel_loop3A_410#2, %parallel_loop3A_410#2 : vector<16xf32>
      %add3A_416 = arith.addf %add3A_413, %mul3A_415 : vector<16xf32>
      %add3A_417 = arith.addf %add3A_414, %parallel_loop3A_410#10 : vector<16xf32>
      %mul3A_418 = arith.mulf %parallel_loop3A_410#3, %parallel_loop3A_410#3 : vector<16xf32>
      %add3A_419 = arith.addf %add3A_416, %mul3A_418 : vector<16xf32>
      %add3A_420 = arith.addf %add3A_417, %parallel_loop3A_410#11 : vector<16xf32>
      %mul3A_421 = arith.mulf %parallel_loop3A_410#4, %parallel_loop3A_410#4 : vector<16xf32>
      %add3A_422 = arith.addf %add3A_419, %mul3A_421 : vector<16xf32>
      %add3A_423 = arith.addf %add3A_420, %parallel_loop3A_410#12 : vector<16xf32>
      %mul3A_424 = arith.mulf %parallel_loop3A_410#5, %parallel_loop3A_410#5 : vector<16xf32>
      %add3A_425 = arith.addf %add3A_422, %mul3A_424 : vector<16xf32>
      %add3A_426 = arith.addf %add3A_423, %parallel_loop3A_410#13 : vector<16xf32>
      %mul3A_427 = arith.mulf %parallel_loop3A_410#6, %parallel_loop3A_410#6 : vector<16xf32>
      %add3A_428 = arith.addf %add3A_425, %mul3A_427 : vector<16xf32>
      %add3A_429 = arith.addf %add3A_426, %parallel_loop3A_410#14 : vector<16xf32>
      %mul3A_430 = arith.mulf %parallel_loop3A_410#7, %parallel_loop3A_410#7 : vector<16xf32>
      %add3A_431 = arith.addf %add3A_428, %mul3A_430 : vector<16xf32>
      %add3A_432 = arith.addf %add3A_429, %parallel_loop3A_410#15 : vector<16xf32>
      %get3A_433 = arith.constant 0 : index
      %get3A_434 = tpu.vector_load %arg18[%get3A_433] {strides = array<i32>} : memref<112xf32, #tpu.memory_space<vmem>>, vector<16xf32>,
      %get3A_435 = arith.constant 16 : index
      %get3A_436 = tpu.vector_load %arg18[%get3A_435] {strides = array<i32>} : memref<112xf32, #tpu.memory_space<vmem>>, vector<16xf32>,
      %add3A_437 = arith.addf %get3A_434, %get3A_436 : vector<16xf32>
      %get3A_438 = arith.constant 32 : index
      %get3A_439 = tpu.vector_load %arg18[%get3A_438] {strides = array<i32>} : memref<112xf32, #tpu.memory_space<vmem>>, vector<16xf32>,
      %add3A_440 = arith.addf %add3A_437, %get3A_439 : vector<16xf32>
      %get3A_441 = arith.constant 48 : index
      %get3A_442 = tpu.vector_load %arg18[%get3A_441] {strides = array<i32>} : memref<112xf32, #tpu.memory_space<vmem>>, vector<16xf32>,
      %add3A_443 = arith.addf %add3A_440, %get3A_442 : vector<16xf32>
      %get3A_444 = arith.constant 64 : index
      %get3A_445 = tpu.vector_load %arg18[%get3A_444] {strides = array<i32>} : memref<112xf32, #tpu.memory_space<vmem>>, vector<16xf32>,
      %add3A_446 = arith.addf %add3A_443, %get3A_445 : vector<16xf32>
      %get3A_447 = arith.constant 80 : index
      %get3A_448 = tpu.vector_load %arg18[%get3A_447] {strides = array<i32>} : memref<112xf32, #tpu.memory_space<vmem>>, vector<16xf32>,
      %add3A_449 = arith.addf %add3A_446, %get3A_448 : vector<16xf32>
      %get3A_450 = arith.constant 96 : index
      %get3A_451 = tpu.vector_load %arg18[%get3A_450] {strides = array<i32>} : memref<112xf32, #tpu.memory_space<vmem>>, vector<16xf32>,
      %add3A_452 = arith.addf %add3A_449, %get3A_451 : vector<16xf32>
      %sub3A_453 = arith.subf %add3A_431, %add3A_432 : vector<16xf32>
      %mul3A_454 = arith.constant 5.000000e-01 : f32
      %mul3A_455 = vector.broadcast %mul3A_454 : f32 to vector<16xf32>
      %mul3A_456 = arith.mulf %mul3A_455, %sub3A_453 : vector<16xf32>
      %add3A_457 = arith.addf %add3A_452, %mul3A_456 : vector<16xf32>
      %reduce_sum3A_458 = arith.constant true
      %reduce_sum3A_459 = vector.broadcast %reduce_sum3A_458 : i1 to vector<16xi1>
      %reduce_sum3A_460 = tpu.scan <sum>, %add3A_457 masked %reduce_sum3A_459 : vector<16xf32>, vector<16xi1> -> vector<16xf32>
      %reduce_sum3A_461 = vector.extract %reduce_sum3A_460[15] : f32 from vector<16xf32>
      %broadcast_in_dim3A_462 = vector.broadcast %add3A_352 : i32 to vector<16xi32>
      %broadcast_in_dim3A_463 = vector.broadcast %reduce_sum3A_461 : f32 to vector<16xf32>
      %iota3A_464 = tpu.iota {dimensions = array<i32: 0>} : vector<16xi32>
      %eq3A_465 = arith.constant 0 : i32
      %eq3A_466 = vector.broadcast %eq3A_465 : i32 to vector<16xi32>
      %eq3A_467 = arith.cmpi eq, %iota3A_464, %eq3A_466 : vector<16xi32>
      tpu.vector_store_idx %arg9[%broadcast_in_dim3A_462], %broadcast_in_dim3A_463 masked %eq3A_467 : memref<128xf32, #tpu.memory_space<vmem>>[vector<16xi32>], vector<16xf32>, vector<16xi1>
      %mul3A_468 = arith.constant 4 : i32
      %mul3A_469 = arith.muli %mul3A_468, %scan3A_233 : i32
      %add3A_470 = arith.constant 2 : i32
      %add3A_471 = arith.addi %mul3A_469, %add3A_470 : i32
      %add3A_472 = arith.constant 4 : i32
      %add3A_473 = arith.addi %add3A_471, %add3A_472 : i32
      %sub3A_474 = arith.constant 1 : i32
      %sub3A_475 = arith.subi %add3A_473, %sub3A_474 : i32
      %lt3A_476 = arith.constant 128 : i32
      %lt3A_477 = arith.cmpi slt, %sub3A_475, %lt3A_476 : i32
      %convert_element_type3A_478 = arith.extui %lt3A_477 : i1 to i32
      %cond3A_479 = arith.constant 0 : i32
      %cond3A_480 = arith.cmpi ne, %convert_element_type3A_478, %cond3A_479 : i32
      scf.if %cond3A_480 {
        %add3A_706 = arith.constant 4 : i32
        %add3A_707 = arith.addi %add3A_471, %add3A_706 : i32
        %sub3A_708 = arith.constant 1 : i32
        %sub3A_709 = arith.subi %add3A_707, %sub3A_708 : i32
        %dma_start3A_710 = arith.constant 0 : i32
        %dma_start3A_711 = tpu.memref_slice %arg8[%sub3A_709, %dma_start3A_710] : memref<128x100xi32, #tpu.memory_space<vmem>> -> memref<1x100xi32, #tpu.memory_space<vmem>>
        %dma_start3A_712 = tpu.memref_squeeze %dma_start3A_711 : memref<1x100xi32, #tpu.memory_space<vmem>> -> memref<100xi32, #tpu.memory_space<vmem>>
        %dma_start3A_713 = arith.constant 0 : i32
        %dma_start3A_714 = arith.constant 0 : i32
        %dma_start3A_715 = tpu.memref_slice %arg3[%dma_start3A_713, %dma_start3A_714] : memref<100000x128xf32, #tpu.memory_space<hbm>> -> memref<100000x128xf32, #tpu.memory_space<hbm>>
        tpu.enqueue_indirect_dma source(%dma_start3A_715 : memref<100000x128xf32, #tpu.memory_space<hbm>>) target(%arg14 : memref<100x128xf32, #tpu.memory_space<vmem>>) offsets(%dma_start3A_712 : memref<100xi32, #tpu.memory_space<vmem>>) semaphore(%arg22 : memref<!tpu.dma_semaphore, #tpu.memory_space<semaphore_mem>>)
        %dma_start3A_716 = arith.constant 0 : i32
        %dma_start3A_717 = tpu.memref_slice %arg18[%dma_start3A_716] : memref<112xf32, #tpu.memory_space<vmem>> -> memref<100xf32, #tpu.memory_space<vmem>>
        %dma_start3A_718 = arith.constant 0 : i32
        %dma_start3A_719 = tpu.memref_slice %arg8[%sub3A_709, %dma_start3A_718] : memref<128x100xi32, #tpu.memory_space<vmem>> -> memref<1x100xi32, #tpu.memory_space<vmem>>
        %dma_start3A_720 = tpu.memref_squeeze %dma_start3A_719 : memref<1x100xi32, #tpu.memory_space<vmem>> -> memref<100xi32, #tpu.memory_space<vmem>>
        %dma_start3A_721 = arith.constant 0 : i32
        %dma_start3A_722 = tpu.memref_slice %arg11[%dma_start3A_721] : memref<100000xf32, #tpu.memory_space<vmem_shared>> -> memref<100000xf32, #tpu.memory_space<vmem_shared>>
        tpu.enqueue_indirect_dma source(%dma_start3A_722 : memref<100000xf32, #tpu.memory_space<vmem_shared>>) target(%dma_start3A_717 : memref<100xf32, #tpu.memory_space<vmem>>) offsets(%dma_start3A_720 : memref<100xi32, #tpu.memory_space<vmem>>) semaphore(%arg26 : memref<!tpu.dma_semaphore, #tpu.memory_space<semaphore_mem>>)
      } else {
      }
      %dma_wait3A_481 = arith.constant 0 : i32
      %dma_wait3A_482 = tpu.memref_slice %arg8[%add3A_471, %dma_wait3A_481] : memref<128x100xi32, #tpu.memory_space<vmem>> -> memref<1x100xi32, #tpu.memory_space<vmem>>
      %dma_wait3A_483 = tpu.memref_squeeze %dma_wait3A_482 : memref<1x100xi32, #tpu.memory_space<vmem>> -> memref<100xi32, #tpu.memory_space<vmem>>
      %dma_wait3A_484 = arith.constant 0 : i32
      %dma_wait3A_485 = arith.constant 0 : i32
      %dma_wait3A_486 = tpu.memref_slice %arg3[%dma_wait3A_484, %dma_wait3A_485] : memref<100000x128xf32, #tpu.memory_space<hbm>> -> memref<100000x128xf32, #tpu.memory_space<hbm>>
      tpu.wait_indirect_dma semaphore(%arg23 : memref<!tpu.dma_semaphore, #tpu.memory_space<semaphore_mem>>) src(%dma_wait3A_486 : memref<100000x128xf32, #tpu.memory_space<hbm>>) dst(%arg15 : memref<100x128xf32, #tpu.memory_space<vmem>>)
      %dma_wait3A_487 = arith.constant 0 : i32
      %dma_wait3A_488 = tpu.memref_slice %arg19[%dma_wait3A_487] : memref<112xf32, #tpu.memory_space<vmem>> -> memref<100xf32, #tpu.memory_space<vmem>>
      %dma_wait3A_489 = arith.constant 0 : i32
      %dma_wait3A_490 = tpu.memref_slice %arg8[%add3A_471, %dma_wait3A_489] : memref<128x100xi32, #tpu.memory_space<vmem>> -> memref<1x100xi32, #tpu.memory_space<vmem>>
      %dma_wait3A_491 = tpu.memref_squeeze %dma_wait3A_490 : memref<1x100xi32, #tpu.memory_space<vmem>> -> memref<100xi32, #tpu.memory_space<vmem>>
      %dma_wait3A_492 = arith.constant 0 : i32
      %dma_wait3A_493 = tpu.memref_slice %arg11[%dma_wait3A_492] : memref<100000xf32, #tpu.memory_space<vmem_shared>> -> memref<100000xf32, #tpu.memory_space<vmem_shared>>
      tpu.wait_indirect_dma semaphore(%arg27 : memref<!tpu.dma_semaphore, #tpu.memory_space<semaphore_mem>>) src(%dma_wait3A_493 : memref<100000xf32, #tpu.memory_space<vmem_shared>>) dst(%dma_wait3A_488 : memref<100xf32, #tpu.memory_space<vmem>>)
      %broadcast_in_dim3A_494 = arith.constant 0.000000e+00 : f32
      %broadcast_in_dim3A_495 = vector.broadcast %broadcast_in_dim3A_494 : f32 to vector<16xf32>
      %broadcast_in_dim3A_496 = arith.constant 0.000000e+00 : f32
      %broadcast_in_dim3A_497 = vector.broadcast %broadcast_in_dim3A_496 : f32 to vector<16xf32>
      %broadcast_in_dim3A_498 = arith.constant 0.000000e+00 : f32
      %broadcast_in_dim3A_499 = vector.broadcast %broadcast_in_dim3A_498 : f32 to vector<16xf32>
      %broadcast_in_dim3A_500 = arith.constant 0.000000e+00 : f32
      %broadcast_in_dim3A_501 = vector.broadcast %broadcast_in_dim3A_500 : f32 to vector<16xf32>
      %broadcast_in_dim3A_502 = arith.constant 0.000000e+00 : f32
      %broadcast_in_dim3A_503 = vector.broadcast %broadcast_in_dim3A_502 : f32 to vector<16xf32>
      %broadcast_in_dim3A_504 = arith.constant 0.000000e+00 : f32
      %broadcast_in_dim3A_505 = vector.broadcast %broadcast_in_dim3A_504 : f32 to vector<16xf32>
      %broadcast_in_dim3A_506 = arith.constant 0.000000e+00 : f32
      %broadcast_in_dim3A_507 = vector.broadcast %broadcast_in_dim3A_506 : f32 to vector<16xf32>
      %broadcast_in_dim3A_508 = arith.constant 0.000000e+00 : f32
      %broadcast_in_dim3A_509 = vector.broadcast %broadcast_in_dim3A_508 : f32 to vector<16xf32>
      %broadcast_in_dim3A_510 = arith.constant 0.000000e+00 : f32
      %broadcast_in_dim3A_511 = vector.broadcast %broadcast_in_dim3A_510 : f32 to vector<16xf32>
      %broadcast_in_dim3A_512 = arith.constant 0.000000e+00 : f32
      %broadcast_in_dim3A_513 = vector.broadcast %broadcast_in_dim3A_512 : f32 to vector<16xf32>
      %broadcast_in_dim3A_514 = arith.constant 0.000000e+00 : f32
      %broadcast_in_dim3A_515 = vector.broadcast %broadcast_in_dim3A_514 : f32 to vector<16xf32>
      %broadcast_in_dim3A_516 = arith.constant 0.000000e+00 : f32
      %broadcast_in_dim3A_517 = vector.broadcast %broadcast_in_dim3A_516 : f32 to vector<16xf32>
      %broadcast_in_dim3A_518 = arith.constant 0.000000e+00 : f32
      %broadcast_in_dim3A_519 = vector.broadcast %broadcast_in_dim3A_518 : f32 to vector<16xf32>
      %broadcast_in_dim3A_520 = arith.constant 0.000000e+00 : f32
      %broadcast_in_dim3A_521 = vector.broadcast %broadcast_in_dim3A_520 : f32 to vector<16xf32>
      %broadcast_in_dim3A_522 = arith.constant 0.000000e+00 : f32
      %broadcast_in_dim3A_523 = vector.broadcast %broadcast_in_dim3A_522 : f32 to vector<16xf32>
      %broadcast_in_dim3A_524 = arith.constant 0.000000e+00 : f32
      %broadcast_in_dim3A_525 = vector.broadcast %broadcast_in_dim3A_524 : f32 to vector<16xf32>
      %parallel_loop3A_526 = arith.constant 0 : i32
      %parallel_loop3A_527 = arith.constant 100 : i32
      %parallel_loop3A_528 = arith.constant 1 : i32
      %parallel_loop3A_529:16 = scf.for %parallel_loop3A_706 = %parallel_loop3A_526 to %parallel_loop3A_527 step %parallel_loop3A_528 iter_args(%parallel_loop3A_707 = %broadcast_in_dim3A_495, %parallel_loop3A_708 = %broadcast_in_dim3A_497, %parallel_loop3A_709 = %broadcast_in_dim3A_499, %parallel_loop3A_710 = %broadcast_in_dim3A_501, %parallel_loop3A_711 = %broadcast_in_dim3A_503, %parallel_loop3A_712 = %broadcast_in_dim3A_505, %parallel_loop3A_713 = %broadcast_in_dim3A_507, %parallel_loop3A_714 = %broadcast_in_dim3A_509, %parallel_loop3A_715 = %broadcast_in_dim3A_511, %parallel_loop3A_716 = %broadcast_in_dim3A_513, %parallel_loop3A_717 = %broadcast_in_dim3A_515, %parallel_loop3A_718 = %broadcast_in_dim3A_517, %parallel_loop3A_719 = %broadcast_in_dim3A_519, %parallel_loop3A_720 = %broadcast_in_dim3A_521, %parallel_loop3A_721 = %broadcast_in_dim3A_523, %parallel_loop3A_722 = %broadcast_in_dim3A_525) -> (vector<16xf32>, vector<16xf32>, vector<16xf32>, vector<16xf32>, vector<16xf32>, vector<16xf32>, vector<16xf32>, vector<16xf32>, vector<16xf32>, vector<16xf32>, vector<16xf32>, vector<16xf32>, vector<16xf32>, vector<16xf32>, vector<16xf32>, vector<16xf32>)  : i32 {
        %parallel_loop3A_723 = arith.index_cast %parallel_loop3A_706 : i32 to index
        %parallel_loop3A_724 = arith.constant 0 : index
        %parallel_loop3A_725 = tpu.vector_load %arg15[%parallel_loop3A_723, %parallel_loop3A_724] {strides = array<i32>} : memref<100x128xf32, #tpu.memory_space<vmem>>, vector<16xf32>,
        %parallel_loop3A_726 = arith.addf %parallel_loop3A_707, %parallel_loop3A_725 : vector<16xf32>
        %parallel_loop3A_727 = arith.mulf %parallel_loop3A_725, %parallel_loop3A_725 : vector<16xf32>
        %parallel_loop3A_728 = arith.addf %parallel_loop3A_715, %parallel_loop3A_727 : vector<16xf32>
        %parallel_loop3A_729 = arith.index_cast %parallel_loop3A_706 : i32 to index
        %parallel_loop3A_730 = arith.constant 16 : index
        %parallel_loop3A_731 = tpu.vector_load %arg15[%parallel_loop3A_729, %parallel_loop3A_730] {strides = array<i32>} : memref<100x128xf32, #tpu.memory_space<vmem>>, vector<16xf32>,
        %parallel_loop3A_732 = arith.addf %parallel_loop3A_708, %parallel_loop3A_731 : vector<16xf32>
        %parallel_loop3A_733 = arith.mulf %parallel_loop3A_731, %parallel_loop3A_731 : vector<16xf32>
        %parallel_loop3A_734 = arith.addf %parallel_loop3A_716, %parallel_loop3A_733 : vector<16xf32>
        %parallel_loop3A_735 = arith.index_cast %parallel_loop3A_706 : i32 to index
        %parallel_loop3A_736 = arith.constant 32 : index
        %parallel_loop3A_737 = tpu.vector_load %arg15[%parallel_loop3A_735, %parallel_loop3A_736] {strides = array<i32>} : memref<100x128xf32, #tpu.memory_space<vmem>>, vector<16xf32>,
        %parallel_loop3A_738 = arith.addf %parallel_loop3A_709, %parallel_loop3A_737 : vector<16xf32>
        %parallel_loop3A_739 = arith.mulf %parallel_loop3A_737, %parallel_loop3A_737 : vector<16xf32>
        %parallel_loop3A_740 = arith.addf %parallel_loop3A_717, %parallel_loop3A_739 : vector<16xf32>
        %parallel_loop3A_741 = arith.index_cast %parallel_loop3A_706 : i32 to index
        %parallel_loop3A_742 = arith.constant 48 : index
        %parallel_loop3A_743 = tpu.vector_load %arg15[%parallel_loop3A_741, %parallel_loop3A_742] {strides = array<i32>} : memref<100x128xf32, #tpu.memory_space<vmem>>, vector<16xf32>,
        %parallel_loop3A_744 = arith.addf %parallel_loop3A_710, %parallel_loop3A_743 : vector<16xf32>
        %parallel_loop3A_745 = arith.mulf %parallel_loop3A_743, %parallel_loop3A_743 : vector<16xf32>
        %parallel_loop3A_746 = arith.addf %parallel_loop3A_718, %parallel_loop3A_745 : vector<16xf32>
        %parallel_loop3A_747 = arith.index_cast %parallel_loop3A_706 : i32 to index
        %parallel_loop3A_748 = arith.constant 64 : index
        %parallel_loop3A_749 = tpu.vector_load %arg15[%parallel_loop3A_747, %parallel_loop3A_748] {strides = array<i32>} : memref<100x128xf32, #tpu.memory_space<vmem>>, vector<16xf32>,
        %parallel_loop3A_750 = arith.addf %parallel_loop3A_711, %parallel_loop3A_749 : vector<16xf32>
        %parallel_loop3A_751 = arith.mulf %parallel_loop3A_749, %parallel_loop3A_749 : vector<16xf32>
        %parallel_loop3A_752 = arith.addf %parallel_loop3A_719, %parallel_loop3A_751 : vector<16xf32>
        %parallel_loop3A_753 = arith.index_cast %parallel_loop3A_706 : i32 to index
        %parallel_loop3A_754 = arith.constant 80 : index
        %parallel_loop3A_755 = tpu.vector_load %arg15[%parallel_loop3A_753, %parallel_loop3A_754] {strides = array<i32>} : memref<100x128xf32, #tpu.memory_space<vmem>>, vector<16xf32>,
        %parallel_loop3A_756 = arith.addf %parallel_loop3A_712, %parallel_loop3A_755 : vector<16xf32>
        %parallel_loop3A_757 = arith.mulf %parallel_loop3A_755, %parallel_loop3A_755 : vector<16xf32>
        %parallel_loop3A_758 = arith.addf %parallel_loop3A_720, %parallel_loop3A_757 : vector<16xf32>
        %parallel_loop3A_759 = arith.index_cast %parallel_loop3A_706 : i32 to index
        %parallel_loop3A_760 = arith.constant 96 : index
        %parallel_loop3A_761 = tpu.vector_load %arg15[%parallel_loop3A_759, %parallel_loop3A_760] {strides = array<i32>} : memref<100x128xf32, #tpu.memory_space<vmem>>, vector<16xf32>,
        %parallel_loop3A_762 = arith.addf %parallel_loop3A_713, %parallel_loop3A_761 : vector<16xf32>
        %parallel_loop3A_763 = arith.mulf %parallel_loop3A_761, %parallel_loop3A_761 : vector<16xf32>
        %parallel_loop3A_764 = arith.addf %parallel_loop3A_721, %parallel_loop3A_763 : vector<16xf32>
        %parallel_loop3A_765 = arith.index_cast %parallel_loop3A_706 : i32 to index
        %parallel_loop3A_766 = arith.constant 112 : index
        %parallel_loop3A_767 = tpu.vector_load %arg15[%parallel_loop3A_765, %parallel_loop3A_766] {strides = array<i32>} : memref<100x128xf32, #tpu.memory_space<vmem>>, vector<16xf32>,
        %parallel_loop3A_768 = arith.addf %parallel_loop3A_714, %parallel_loop3A_767 : vector<16xf32>
        %parallel_loop3A_769 = arith.mulf %parallel_loop3A_767, %parallel_loop3A_767 : vector<16xf32>
        %parallel_loop3A_770 = arith.addf %parallel_loop3A_722, %parallel_loop3A_769 : vector<16xf32>
        scf.yield %parallel_loop3A_726, %parallel_loop3A_732, %parallel_loop3A_738, %parallel_loop3A_744, %parallel_loop3A_750, %parallel_loop3A_756, %parallel_loop3A_762, %parallel_loop3A_768, %parallel_loop3A_728, %parallel_loop3A_734, %parallel_loop3A_740, %parallel_loop3A_746, %parallel_loop3A_752, %parallel_loop3A_758, %parallel_loop3A_764, %parallel_loop3A_770 : vector<16xf32>, vector<16xf32>, vector<16xf32>, vector<16xf32>, vector<16xf32>, vector<16xf32>, vector<16xf32>, vector<16xf32>, vector<16xf32>, vector<16xf32>, vector<16xf32>, vector<16xf32>, vector<16xf32>, vector<16xf32>, vector<16xf32>, vector<16xf32>
      } {sc.loop_unroll_factor = 4 : i64, sc.parallel_access}
      %mul3A_530 = arith.mulf %parallel_loop3A_529#0, %parallel_loop3A_529#0 : vector<16xf32>
      %mul3A_531 = arith.mulf %parallel_loop3A_529#1, %parallel_loop3A_529#1 : vector<16xf32>
      %add3A_532 = arith.addf %mul3A_530, %mul3A_531 : vector<16xf32>
      %add3A_533 = arith.addf %parallel_loop3A_529#8, %parallel_loop3A_529#9 : vector<16xf32>
      %mul3A_534 = arith.mulf %parallel_loop3A_529#2, %parallel_loop3A_529#2 : vector<16xf32>
      %add3A_535 = arith.addf %add3A_532, %mul3A_534 : vector<16xf32>
      %add3A_536 = arith.addf %add3A_533, %parallel_loop3A_529#10 : vector<16xf32>
      %mul3A_537 = arith.mulf %parallel_loop3A_529#3, %parallel_loop3A_529#3 : vector<16xf32>
      %add3A_538 = arith.addf %add3A_535, %mul3A_537 : vector<16xf32>
      %add3A_539 = arith.addf %add3A_536, %parallel_loop3A_529#11 : vector<16xf32>
      %mul3A_540 = arith.mulf %parallel_loop3A_529#4, %parallel_loop3A_529#4 : vector<16xf32>
      %add3A_541 = arith.addf %add3A_538, %mul3A_540 : vector<16xf32>
      %add3A_542 = arith.addf %add3A_539, %parallel_loop3A_529#12 : vector<16xf32>
      %mul3A_543 = arith.mulf %parallel_loop3A_529#5, %parallel_loop3A_529#5 : vector<16xf32>
      %add3A_544 = arith.addf %add3A_541, %mul3A_543 : vector<16xf32>
      %add3A_545 = arith.addf %add3A_542, %parallel_loop3A_529#13 : vector<16xf32>
      %mul3A_546 = arith.mulf %parallel_loop3A_529#6, %parallel_loop3A_529#6 : vector<16xf32>
      %add3A_547 = arith.addf %add3A_544, %mul3A_546 : vector<16xf32>
      %add3A_548 = arith.addf %add3A_545, %parallel_loop3A_529#14 : vector<16xf32>
      %mul3A_549 = arith.mulf %parallel_loop3A_529#7, %parallel_loop3A_529#7 : vector<16xf32>
      %add3A_550 = arith.addf %add3A_547, %mul3A_549 : vector<16xf32>
      %add3A_551 = arith.addf %add3A_548, %parallel_loop3A_529#15 : vector<16xf32>
      %get3A_552 = arith.constant 0 : index
      %get3A_553 = tpu.vector_load %arg19[%get3A_552] {strides = array<i32>} : memref<112xf32, #tpu.memory_space<vmem>>, vector<16xf32>,
      %get3A_554 = arith.constant 16 : index
      %get3A_555 = tpu.vector_load %arg19[%get3A_554] {strides = array<i32>} : memref<112xf32, #tpu.memory_space<vmem>>, vector<16xf32>,
      %add3A_556 = arith.addf %get3A_553, %get3A_555 : vector<16xf32>
      %get3A_557 = arith.constant 32 : index
      %get3A_558 = tpu.vector_load %arg19[%get3A_557] {strides = array<i32>} : memref<112xf32, #tpu.memory_space<vmem>>, vector<16xf32>,
      %add3A_559 = arith.addf %add3A_556, %get3A_558 : vector<16xf32>
      %get3A_560 = arith.constant 48 : index
      %get3A_561 = tpu.vector_load %arg19[%get3A_560] {strides = array<i32>} : memref<112xf32, #tpu.memory_space<vmem>>, vector<16xf32>,
      %add3A_562 = arith.addf %add3A_559, %get3A_561 : vector<16xf32>
      %get3A_563 = arith.constant 64 : index
      %get3A_564 = tpu.vector_load %arg19[%get3A_563] {strides = array<i32>} : memref<112xf32, #tpu.memory_space<vmem>>, vector<16xf32>,
      %add3A_565 = arith.addf %add3A_562, %get3A_564 : vector<16xf32>
      %get3A_566 = arith.constant 80 : index
      %get3A_567 = tpu.vector_load %arg19[%get3A_566] {strides = array<i32>} : memref<112xf32, #tpu.memory_space<vmem>>, vector<16xf32>,
      %add3A_568 = arith.addf %add3A_565, %get3A_567 : vector<16xf32>
      %get3A_569 = arith.constant 96 : index
      %get3A_570 = tpu.vector_load %arg19[%get3A_569] {strides = array<i32>} : memref<112xf32, #tpu.memory_space<vmem>>, vector<16xf32>,
      %add3A_571 = arith.addf %add3A_568, %get3A_570 : vector<16xf32>
      %sub3A_572 = arith.subf %add3A_550, %add3A_551 : vector<16xf32>
      %mul3A_573 = arith.constant 5.000000e-01 : f32
      %mul3A_574 = vector.broadcast %mul3A_573 : f32 to vector<16xf32>
      %mul3A_575 = arith.mulf %mul3A_574, %sub3A_572 : vector<16xf32>
      %add3A_576 = arith.addf %add3A_571, %mul3A_575 : vector<16xf32>
      %reduce_sum3A_577 = arith.constant true
      %reduce_sum3A_578 = vector.broadcast %reduce_sum3A_577 : i1 to vector<16xi1>
      %reduce_sum3A_579 = tpu.scan <sum>, %add3A_576 masked %reduce_sum3A_578 : vector<16xf32>, vector<16xi1> -> vector<16xf32>
      %reduce_sum3A_580 = vector.extract %reduce_sum3A_579[15] : f32 from vector<16xf32>
      %broadcast_in_dim3A_581 = vector.broadcast %add3A_471 : i32 to vector<16xi32>
      %broadcast_in_dim3A_582 = vector.broadcast %reduce_sum3A_580 : f32 to vector<16xf32>
      %iota3A_583 = tpu.iota {dimensions = array<i32: 0>} : vector<16xi32>
      %eq3A_584 = arith.constant 0 : i32
      %eq3A_585 = vector.broadcast %eq3A_584 : i32 to vector<16xi32>
      %eq3A_586 = arith.cmpi eq, %iota3A_583, %eq3A_585 : vector<16xi32>
      tpu.vector_store_idx %arg9[%broadcast_in_dim3A_581], %broadcast_in_dim3A_582 masked %eq3A_586 : memref<128xf32, #tpu.memory_space<vmem>>[vector<16xi32>], vector<16xf32>, vector<16xi1>
      %mul3A_587 = arith.constant 4 : i32
      %mul3A_588 = arith.muli %mul3A_587, %scan3A_233 : i32
      %add3A_589 = arith.constant 3 : i32
      %add3A_590 = arith.addi %mul3A_588, %add3A_589 : i32
      %add3A_591 = arith.constant 4 : i32
      %add3A_592 = arith.addi %add3A_590, %add3A_591 : i32
      %sub3A_593 = arith.constant 1 : i32
      %sub3A_594 = arith.subi %add3A_592, %sub3A_593 : i32
      %lt3A_595 = arith.constant 128 : i32
      %lt3A_596 = arith.cmpi slt, %sub3A_594, %lt3A_595 : i32
      %convert_element_type3A_597 = arith.extui %lt3A_596 : i1 to i32
      %cond3A_598 = arith.constant 0 : i32
      %cond3A_599 = arith.cmpi ne, %convert_element_type3A_597, %cond3A_598 : i32
      scf.if %cond3A_599 {
        %add3A_706 = arith.constant 4 : i32
        %add3A_707 = arith.addi %add3A_590, %add3A_706 : i32
        %sub3A_708 = arith.constant 1 : i32
        %sub3A_709 = arith.subi %add3A_707, %sub3A_708 : i32
        %dma_start3A_710 = arith.constant 0 : i32
        %dma_start3A_711 = tpu.memref_slice %arg8[%sub3A_709, %dma_start3A_710] : memref<128x100xi32, #tpu.memory_space<vmem>> -> memref<1x100xi32, #tpu.memory_space<vmem>>
        %dma_start3A_712 = tpu.memref_squeeze %dma_start3A_711 : memref<1x100xi32, #tpu.memory_space<vmem>> -> memref<100xi32, #tpu.memory_space<vmem>>
        %dma_start3A_713 = arith.constant 0 : i32
        %dma_start3A_714 = arith.constant 0 : i32
        %dma_start3A_715 = tpu.memref_slice %arg3[%dma_start3A_713, %dma_start3A_714] : memref<100000x128xf32, #tpu.memory_space<hbm>> -> memref<100000x128xf32, #tpu.memory_space<hbm>>
        tpu.enqueue_indirect_dma source(%dma_start3A_715 : memref<100000x128xf32, #tpu.memory_space<hbm>>) target(%arg15 : memref<100x128xf32, #tpu.memory_space<vmem>>) offsets(%dma_start3A_712 : memref<100xi32, #tpu.memory_space<vmem>>) semaphore(%arg23 : memref<!tpu.dma_semaphore, #tpu.memory_space<semaphore_mem>>)
        %dma_start3A_716 = arith.constant 0 : i32
        %dma_start3A_717 = tpu.memref_slice %arg19[%dma_start3A_716] : memref<112xf32, #tpu.memory_space<vmem>> -> memref<100xf32, #tpu.memory_space<vmem>>
        %dma_start3A_718 = arith.constant 0 : i32
        %dma_start3A_719 = tpu.memref_slice %arg8[%sub3A_709, %dma_start3A_718] : memref<128x100xi32, #tpu.memory_space<vmem>> -> memref<1x100xi32, #tpu.memory_space<vmem>>
        %dma_start3A_720 = tpu.memref_squeeze %dma_start3A_719 : memref<1x100xi32, #tpu.memory_space<vmem>> -> memref<100xi32, #tpu.memory_space<vmem>>
        %dma_start3A_721 = arith.constant 0 : i32
        %dma_start3A_722 = tpu.memref_slice %arg11[%dma_start3A_721] : memref<100000xf32, #tpu.memory_space<vmem_shared>> -> memref<100000xf32, #tpu.memory_space<vmem_shared>>
        tpu.enqueue_indirect_dma source(%dma_start3A_722 : memref<100000xf32, #tpu.memory_space<vmem_shared>>) target(%dma_start3A_717 : memref<100xf32, #tpu.memory_space<vmem>>) offsets(%dma_start3A_720 : memref<100xi32, #tpu.memory_space<vmem>>) semaphore(%arg27 : memref<!tpu.dma_semaphore, #tpu.memory_space<semaphore_mem>>)
      } else {
      }
      %dma_wait3A_600 = arith.constant 0 : i32
      %dma_wait3A_601 = tpu.memref_slice %arg8[%add3A_590, %dma_wait3A_600] : memref<128x100xi32, #tpu.memory_space<vmem>> -> memref<1x100xi32, #tpu.memory_space<vmem>>
      %dma_wait3A_602 = tpu.memref_squeeze %dma_wait3A_601 : memref<1x100xi32, #tpu.memory_space<vmem>> -> memref<100xi32, #tpu.memory_space<vmem>>
      %dma_wait3A_603 = arith.constant 0 : i32
      %dma_wait3A_604 = arith.constant 0 : i32
      %dma_wait3A_605 = tpu.memref_slice %arg3[%dma_wait3A_603, %dma_wait3A_604] : memref<100000x128xf32, #tpu.memory_space<hbm>> -> memref<100000x128xf32, #tpu.memory_space<hbm>>
      tpu.wait_indirect_dma semaphore(%arg24 : memref<!tpu.dma_semaphore, #tpu.memory_space<semaphore_mem>>) src(%dma_wait3A_605 : memref<100000x128xf32, #tpu.memory_space<hbm>>) dst(%arg16 : memref<100x128xf32, #tpu.memory_space<vmem>>)
      %dma_wait3A_606 = arith.constant 0 : i32
      %dma_wait3A_607 = tpu.memref_slice %arg20[%dma_wait3A_606] : memref<112xf32, #tpu.memory_space<vmem>> -> memref<100xf32, #tpu.memory_space<vmem>>
      %dma_wait3A_608 = arith.constant 0 : i32
      %dma_wait3A_609 = tpu.memref_slice %arg8[%add3A_590, %dma_wait3A_608] : memref<128x100xi32, #tpu.memory_space<vmem>> -> memref<1x100xi32, #tpu.memory_space<vmem>>
      %dma_wait3A_610 = tpu.memref_squeeze %dma_wait3A_609 : memref<1x100xi32, #tpu.memory_space<vmem>> -> memref<100xi32, #tpu.memory_space<vmem>>
      %dma_wait3A_611 = arith.constant 0 : i32
      %dma_wait3A_612 = tpu.memref_slice %arg11[%dma_wait3A_611] : memref<100000xf32, #tpu.memory_space<vmem_shared>> -> memref<100000xf32, #tpu.memory_space<vmem_shared>>
      tpu.wait_indirect_dma semaphore(%arg28 : memref<!tpu.dma_semaphore, #tpu.memory_space<semaphore_mem>>) src(%dma_wait3A_612 : memref<100000xf32, #tpu.memory_space<vmem_shared>>) dst(%dma_wait3A_607 : memref<100xf32, #tpu.memory_space<vmem>>)
      %broadcast_in_dim3A_613 = arith.constant 0.000000e+00 : f32
      %broadcast_in_dim3A_614 = vector.broadcast %broadcast_in_dim3A_613 : f32 to vector<16xf32>
      %broadcast_in_dim3A_615 = arith.constant 0.000000e+00 : f32
      %broadcast_in_dim3A_616 = vector.broadcast %broadcast_in_dim3A_615 : f32 to vector<16xf32>
      %broadcast_in_dim3A_617 = arith.constant 0.000000e+00 : f32
      %broadcast_in_dim3A_618 = vector.broadcast %broadcast_in_dim3A_617 : f32 to vector<16xf32>
      %broadcast_in_dim3A_619 = arith.constant 0.000000e+00 : f32
      %broadcast_in_dim3A_620 = vector.broadcast %broadcast_in_dim3A_619 : f32 to vector<16xf32>
      %broadcast_in_dim3A_621 = arith.constant 0.000000e+00 : f32
      %broadcast_in_dim3A_622 = vector.broadcast %broadcast_in_dim3A_621 : f32 to vector<16xf32>
      %broadcast_in_dim3A_623 = arith.constant 0.000000e+00 : f32
      %broadcast_in_dim3A_624 = vector.broadcast %broadcast_in_dim3A_623 : f32 to vector<16xf32>
      %broadcast_in_dim3A_625 = arith.constant 0.000000e+00 : f32
      %broadcast_in_dim3A_626 = vector.broadcast %broadcast_in_dim3A_625 : f32 to vector<16xf32>
      %broadcast_in_dim3A_627 = arith.constant 0.000000e+00 : f32
      %broadcast_in_dim3A_628 = vector.broadcast %broadcast_in_dim3A_627 : f32 to vector<16xf32>
      %broadcast_in_dim3A_629 = arith.constant 0.000000e+00 : f32
      %broadcast_in_dim3A_630 = vector.broadcast %broadcast_in_dim3A_629 : f32 to vector<16xf32>
      %broadcast_in_dim3A_631 = arith.constant 0.000000e+00 : f32
      %broadcast_in_dim3A_632 = vector.broadcast %broadcast_in_dim3A_631 : f32 to vector<16xf32>
      %broadcast_in_dim3A_633 = arith.constant 0.000000e+00 : f32
      %broadcast_in_dim3A_634 = vector.broadcast %broadcast_in_dim3A_633 : f32 to vector<16xf32>
      %broadcast_in_dim3A_635 = arith.constant 0.000000e+00 : f32
      %broadcast_in_dim3A_636 = vector.broadcast %broadcast_in_dim3A_635 : f32 to vector<16xf32>
      %broadcast_in_dim3A_637 = arith.constant 0.000000e+00 : f32
      %broadcast_in_dim3A_638 = vector.broadcast %broadcast_in_dim3A_637 : f32 to vector<16xf32>
      %broadcast_in_dim3A_639 = arith.constant 0.000000e+00 : f32
      %broadcast_in_dim3A_640 = vector.broadcast %broadcast_in_dim3A_639 : f32 to vector<16xf32>
      %broadcast_in_dim3A_641 = arith.constant 0.000000e+00 : f32
      %broadcast_in_dim3A_642 = vector.broadcast %broadcast_in_dim3A_641 : f32 to vector<16xf32>
      %broadcast_in_dim3A_643 = arith.constant 0.000000e+00 : f32
      %broadcast_in_dim3A_644 = vector.broadcast %broadcast_in_dim3A_643 : f32 to vector<16xf32>
      %parallel_loop3A_645 = arith.constant 0 : i32
      %parallel_loop3A_646 = arith.constant 100 : i32
      %parallel_loop3A_647 = arith.constant 1 : i32
      %parallel_loop3A_648:16 = scf.for %parallel_loop3A_706 = %parallel_loop3A_645 to %parallel_loop3A_646 step %parallel_loop3A_647 iter_args(%parallel_loop3A_707 = %broadcast_in_dim3A_614, %parallel_loop3A_708 = %broadcast_in_dim3A_616, %parallel_loop3A_709 = %broadcast_in_dim3A_618, %parallel_loop3A_710 = %broadcast_in_dim3A_620, %parallel_loop3A_711 = %broadcast_in_dim3A_622, %parallel_loop3A_712 = %broadcast_in_dim3A_624, %parallel_loop3A_713 = %broadcast_in_dim3A_626, %parallel_loop3A_714 = %broadcast_in_dim3A_628, %parallel_loop3A_715 = %broadcast_in_dim3A_630, %parallel_loop3A_716 = %broadcast_in_dim3A_632, %parallel_loop3A_717 = %broadcast_in_dim3A_634, %parallel_loop3A_718 = %broadcast_in_dim3A_636, %parallel_loop3A_719 = %broadcast_in_dim3A_638, %parallel_loop3A_720 = %broadcast_in_dim3A_640, %parallel_loop3A_721 = %broadcast_in_dim3A_642, %parallel_loop3A_722 = %broadcast_in_dim3A_644) -> (vector<16xf32>, vector<16xf32>, vector<16xf32>, vector<16xf32>, vector<16xf32>, vector<16xf32>, vector<16xf32>, vector<16xf32>, vector<16xf32>, vector<16xf32>, vector<16xf32>, vector<16xf32>, vector<16xf32>, vector<16xf32>, vector<16xf32>, vector<16xf32>)  : i32 {
        %parallel_loop3A_723 = arith.index_cast %parallel_loop3A_706 : i32 to index
        %parallel_loop3A_724 = arith.constant 0 : index
        %parallel_loop3A_725 = tpu.vector_load %arg16[%parallel_loop3A_723, %parallel_loop3A_724] {strides = array<i32>} : memref<100x128xf32, #tpu.memory_space<vmem>>, vector<16xf32>,
        %parallel_loop3A_726 = arith.addf %parallel_loop3A_707, %parallel_loop3A_725 : vector<16xf32>
        %parallel_loop3A_727 = arith.mulf %parallel_loop3A_725, %parallel_loop3A_725 : vector<16xf32>
        %parallel_loop3A_728 = arith.addf %parallel_loop3A_715, %parallel_loop3A_727 : vector<16xf32>
        %parallel_loop3A_729 = arith.index_cast %parallel_loop3A_706 : i32 to index
        %parallel_loop3A_730 = arith.constant 16 : index
        %parallel_loop3A_731 = tpu.vector_load %arg16[%parallel_loop3A_729, %parallel_loop3A_730] {strides = array<i32>} : memref<100x128xf32, #tpu.memory_space<vmem>>, vector<16xf32>,
        %parallel_loop3A_732 = arith.addf %parallel_loop3A_708, %parallel_loop3A_731 : vector<16xf32>
        %parallel_loop3A_733 = arith.mulf %parallel_loop3A_731, %parallel_loop3A_731 : vector<16xf32>
        %parallel_loop3A_734 = arith.addf %parallel_loop3A_716, %parallel_loop3A_733 : vector<16xf32>
        %parallel_loop3A_735 = arith.index_cast %parallel_loop3A_706 : i32 to index
        %parallel_loop3A_736 = arith.constant 32 : index
        %parallel_loop3A_737 = tpu.vector_load %arg16[%parallel_loop3A_735, %parallel_loop3A_736] {strides = array<i32>} : memref<100x128xf32, #tpu.memory_space<vmem>>, vector<16xf32>,
        %parallel_loop3A_738 = arith.addf %parallel_loop3A_709, %parallel_loop3A_737 : vector<16xf32>
        %parallel_loop3A_739 = arith.mulf %parallel_loop3A_737, %parallel_loop3A_737 : vector<16xf32>
        %parallel_loop3A_740 = arith.addf %parallel_loop3A_717, %parallel_loop3A_739 : vector<16xf32>
        %parallel_loop3A_741 = arith.index_cast %parallel_loop3A_706 : i32 to index
        %parallel_loop3A_742 = arith.constant 48 : index
        %parallel_loop3A_743 = tpu.vector_load %arg16[%parallel_loop3A_741, %parallel_loop3A_742] {strides = array<i32>} : memref<100x128xf32, #tpu.memory_space<vmem>>, vector<16xf32>,
        %parallel_loop3A_744 = arith.addf %parallel_loop3A_710, %parallel_loop3A_743 : vector<16xf32>
        %parallel_loop3A_745 = arith.mulf %parallel_loop3A_743, %parallel_loop3A_743 : vector<16xf32>
        %parallel_loop3A_746 = arith.addf %parallel_loop3A_718, %parallel_loop3A_745 : vector<16xf32>
        %parallel_loop3A_747 = arith.index_cast %parallel_loop3A_706 : i32 to index
        %parallel_loop3A_748 = arith.constant 64 : index
        %parallel_loop3A_749 = tpu.vector_load %arg16[%parallel_loop3A_747, %parallel_loop3A_748] {strides = array<i32>} : memref<100x128xf32, #tpu.memory_space<vmem>>, vector<16xf32>,
        %parallel_loop3A_750 = arith.addf %parallel_loop3A_711, %parallel_loop3A_749 : vector<16xf32>
        %parallel_loop3A_751 = arith.mulf %parallel_loop3A_749, %parallel_loop3A_749 : vector<16xf32>
        %parallel_loop3A_752 = arith.addf %parallel_loop3A_719, %parallel_loop3A_751 : vector<16xf32>
        %parallel_loop3A_753 = arith.index_cast %parallel_loop3A_706 : i32 to index
        %parallel_loop3A_754 = arith.constant 80 : index
        %parallel_loop3A_755 = tpu.vector_load %arg16[%parallel_loop3A_753, %parallel_loop3A_754] {strides = array<i32>} : memref<100x128xf32, #tpu.memory_space<vmem>>, vector<16xf32>,
        %parallel_loop3A_756 = arith.addf %parallel_loop3A_712, %parallel_loop3A_755 : vector<16xf32>
        %parallel_loop3A_757 = arith.mulf %parallel_loop3A_755, %parallel_loop3A_755 : vector<16xf32>
        %parallel_loop3A_758 = arith.addf %parallel_loop3A_720, %parallel_loop3A_757 : vector<16xf32>
        %parallel_loop3A_759 = arith.index_cast %parallel_loop3A_706 : i32 to index
        %parallel_loop3A_760 = arith.constant 96 : index
        %parallel_loop3A_761 = tpu.vector_load %arg16[%parallel_loop3A_759, %parallel_loop3A_760] {strides = array<i32>} : memref<100x128xf32, #tpu.memory_space<vmem>>, vector<16xf32>,
        %parallel_loop3A_762 = arith.addf %parallel_loop3A_713, %parallel_loop3A_761 : vector<16xf32>
        %parallel_loop3A_763 = arith.mulf %parallel_loop3A_761, %parallel_loop3A_761 : vector<16xf32>
        %parallel_loop3A_764 = arith.addf %parallel_loop3A_721, %parallel_loop3A_763 : vector<16xf32>
        %parallel_loop3A_765 = arith.index_cast %parallel_loop3A_706 : i32 to index
        %parallel_loop3A_766 = arith.constant 112 : index
        %parallel_loop3A_767 = tpu.vector_load %arg16[%parallel_loop3A_765, %parallel_loop3A_766] {strides = array<i32>} : memref<100x128xf32, #tpu.memory_space<vmem>>, vector<16xf32>,
        %parallel_loop3A_768 = arith.addf %parallel_loop3A_714, %parallel_loop3A_767 : vector<16xf32>
        %parallel_loop3A_769 = arith.mulf %parallel_loop3A_767, %parallel_loop3A_767 : vector<16xf32>
        %parallel_loop3A_770 = arith.addf %parallel_loop3A_722, %parallel_loop3A_769 : vector<16xf32>
        scf.yield %parallel_loop3A_726, %parallel_loop3A_732, %parallel_loop3A_738, %parallel_loop3A_744, %parallel_loop3A_750, %parallel_loop3A_756, %parallel_loop3A_762, %parallel_loop3A_768, %parallel_loop3A_728, %parallel_loop3A_734, %parallel_loop3A_740, %parallel_loop3A_746, %parallel_loop3A_752, %parallel_loop3A_758, %parallel_loop3A_764, %parallel_loop3A_770 : vector<16xf32>, vector<16xf32>, vector<16xf32>, vector<16xf32>, vector<16xf32>, vector<16xf32>, vector<16xf32>, vector<16xf32>, vector<16xf32>, vector<16xf32>, vector<16xf32>, vector<16xf32>, vector<16xf32>, vector<16xf32>, vector<16xf32>, vector<16xf32>
      } {sc.loop_unroll_factor = 4 : i64, sc.parallel_access}
      %mul3A_649 = arith.mulf %parallel_loop3A_648#0, %parallel_loop3A_648#0 : vector<16xf32>
      %mul3A_650 = arith.mulf %parallel_loop3A_648#1, %parallel_loop3A_648#1 : vector<16xf32>
      %add3A_651 = arith.addf %mul3A_649, %mul3A_650 : vector<16xf32>
      %add3A_652 = arith.addf %parallel_loop3A_648#8, %parallel_loop3A_648#9 : vector<16xf32>
      %mul3A_653 = arith.mulf %parallel_loop3A_648#2, %parallel_loop3A_648#2 : vector<16xf32>
      %add3A_654 = arith.addf %add3A_651, %mul3A_653 : vector<16xf32>
      %add3A_655 = arith.addf %add3A_652, %parallel_loop3A_648#10 : vector<16xf32>
      %mul3A_656 = arith.mulf %parallel_loop3A_648#3, %parallel_loop3A_648#3 : vector<16xf32>
      %add3A_657 = arith.addf %add3A_654, %mul3A_656 : vector<16xf32>
      %add3A_658 = arith.addf %add3A_655, %parallel_loop3A_648#11 : vector<16xf32>
      %mul3A_659 = arith.mulf %parallel_loop3A_648#4, %parallel_loop3A_648#4 : vector<16xf32>
      %add3A_660 = arith.addf %add3A_657, %mul3A_659 : vector<16xf32>
      %add3A_661 = arith.addf %add3A_658, %parallel_loop3A_648#12 : vector<16xf32>
      %mul3A_662 = arith.mulf %parallel_loop3A_648#5, %parallel_loop3A_648#5 : vector<16xf32>
      %add3A_663 = arith.addf %add3A_660, %mul3A_662 : vector<16xf32>
      %add3A_664 = arith.addf %add3A_661, %parallel_loop3A_648#13 : vector<16xf32>
      %mul3A_665 = arith.mulf %parallel_loop3A_648#6, %parallel_loop3A_648#6 : vector<16xf32>
      %add3A_666 = arith.addf %add3A_663, %mul3A_665 : vector<16xf32>
      %add3A_667 = arith.addf %add3A_664, %parallel_loop3A_648#14 : vector<16xf32>
      %mul3A_668 = arith.mulf %parallel_loop3A_648#7, %parallel_loop3A_648#7 : vector<16xf32>
      %add3A_669 = arith.addf %add3A_666, %mul3A_668 : vector<16xf32>
      %add3A_670 = arith.addf %add3A_667, %parallel_loop3A_648#15 : vector<16xf32>
      %get3A_671 = arith.constant 0 : index
      %get3A_672 = tpu.vector_load %arg20[%get3A_671] {strides = array<i32>} : memref<112xf32, #tpu.memory_space<vmem>>, vector<16xf32>,
      %get3A_673 = arith.constant 16 : index
      %get3A_674 = tpu.vector_load %arg20[%get3A_673] {strides = array<i32>} : memref<112xf32, #tpu.memory_space<vmem>>, vector<16xf32>,
      %add3A_675 = arith.addf %get3A_672, %get3A_674 : vector<16xf32>
      %get3A_676 = arith.constant 32 : index
      %get3A_677 = tpu.vector_load %arg20[%get3A_676] {strides = array<i32>} : memref<112xf32, #tpu.memory_space<vmem>>, vector<16xf32>,
      %add3A_678 = arith.addf %add3A_675, %get3A_677 : vector<16xf32>
      %get3A_679 = arith.constant 48 : index
      %get3A_680 = tpu.vector_load %arg20[%get3A_679] {strides = array<i32>} : memref<112xf32, #tpu.memory_space<vmem>>, vector<16xf32>,
      %add3A_681 = arith.addf %add3A_678, %get3A_680 : vector<16xf32>
      %get3A_682 = arith.constant 64 : index
      %get3A_683 = tpu.vector_load %arg20[%get3A_682] {strides = array<i32>} : memref<112xf32, #tpu.memory_space<vmem>>, vector<16xf32>,
      %add3A_684 = arith.addf %add3A_681, %get3A_683 : vector<16xf32>
      %get3A_685 = arith.constant 80 : index
      %get3A_686 = tpu.vector_load %arg20[%get3A_685] {strides = array<i32>} : memref<112xf32, #tpu.memory_space<vmem>>, vector<16xf32>,
      %add3A_687 = arith.addf %add3A_684, %get3A_686 : vector<16xf32>
      %get3A_688 = arith.constant 96 : index
      %get3A_689 = tpu.vector_load %arg20[%get3A_688] {strides = array<i32>} : memref<112xf32, #tpu.memory_space<vmem>>, vector<16xf32>,
      %add3A_690 = arith.addf %add3A_687, %get3A_689 : vector<16xf32>
      %sub3A_691 = arith.subf %add3A_669, %add3A_670 : vector<16xf32>
      %mul3A_692 = arith.constant 5.000000e-01 : f32
      %mul3A_693 = vector.broadcast %mul3A_692 : f32 to vector<16xf32>
      %mul3A_694 = arith.mulf %mul3A_693, %sub3A_691 : vector<16xf32>
      %add3A_695 = arith.addf %add3A_690, %mul3A_694 : vector<16xf32>
      %reduce_sum3A_696 = arith.constant true
      %reduce_sum3A_697 = vector.broadcast %reduce_sum3A_696 : i1 to vector<16xi1>
      %reduce_sum3A_698 = tpu.scan <sum>, %add3A_695 masked %reduce_sum3A_697 : vector<16xf32>, vector<16xi1> -> vector<16xf32>
      %reduce_sum3A_699 = vector.extract %reduce_sum3A_698[15] : f32 from vector<16xf32>
      %broadcast_in_dim3A_700 = vector.broadcast %add3A_590 : i32 to vector<16xi32>
      %broadcast_in_dim3A_701 = vector.broadcast %reduce_sum3A_699 : f32 to vector<16xf32>
      %iota3A_702 = tpu.iota {dimensions = array<i32: 0>} : vector<16xi32>
      %eq3A_703 = arith.constant 0 : i32
      %eq3A_704 = vector.broadcast %eq3A_703 : i32 to vector<16xi32>
      %eq3A_705 = arith.cmpi eq, %iota3A_702, %eq3A_704 : vector<16xi32>
      tpu.vector_store_idx %arg9[%broadcast_in_dim3A_700], %broadcast_in_dim3A_701 masked %eq3A_705 : memref<128xf32, #tpu.memory_space<vmem>>[vector<16xi32>], vector<16xf32>, vector<16xi1>
    }
    %scan3A_88 = arith.constant 32 : i32
    %get3A = arith.constant 0 : index
    %get3A_89 = tpu.vector_load %arg10[%get3A] {strides = array<i32>} : memref<16xf32, #tpu.memory_space<vmem>>, vector<16xf32>,
    %slice3A = vector.extract_strided_slice %get3A_89 {offsets = [0], sizes = [1], strides = [1]} : vector<16xf32> to vector<1xf32>
    %squeeze3A = vector.extract %slice3A[0] : f32 from vector<1xf32>
    %slice3A_90 = vector.extract_strided_slice %get3A_89 {offsets = [8], sizes = [1], strides = [1]} : vector<16xf32> to vector<1xf32>
    %squeeze3A_91 = vector.extract %slice3A_90[0] : f32 from vector<1xf32>
    %get3A_92 = arith.constant 0 : index
    %get3A_93 = tpu.vector_load %arg9[%get3A_92] {strides = array<i32>} : memref<128xf32, #tpu.memory_space<vmem>>, vector<16xf32>,
    %mul3A_94 = vector.broadcast %squeeze3A : f32 to vector<16xf32>
    %mul3A_95 = arith.mulf %get3A_93, %mul3A_94 : vector<16xf32>
    %add3A_96 = vector.broadcast %squeeze3A_91 : f32 to vector<16xf32>
    %add3A_97 = arith.addf %mul3A_95, %add3A_96 : vector<16xf32>
    %neg3A = arith.constant 0.000000e+00 : f32
    %neg3A_98 = vector.broadcast %neg3A : f32 to vector<16xf32>
    %neg3A_99 = arith.subf %neg3A_98, %add3A_97 : vector<16xf32>
    %exp3A = math.exp %neg3A_99 : vector<16xf32>
    %add3A_100 = arith.constant 1.000000e+00 : f32
    %add3A_101 = vector.broadcast %add3A_100 : f32 to vector<16xf32>
    %add3A_102 = arith.addf %add3A_101, %exp3A : vector<16xf32>
    %div3A = arith.constant 1.000000e+00 : f32
    %div3A_103 = vector.broadcast %div3A : f32 to vector<16xf32>
    %div3A_104 = arith.divf %div3A_103, %add3A_102 : vector<16xf32>
    %swap3A_105 = arith.constant 0 : index
    %swap3A_106 = tpu.vector_load %arg9[%swap3A_105] {strides = array<i32>} : memref<128xf32, #tpu.memory_space<vmem>>, vector<16xf32>,
    tpu.vector_store %arg9[%swap3A_105], %div3A_104 {strides = array<i32>} : memref<128xf32, #tpu.memory_space<vmem>>, vector<16xf32>,
    %get3A_107 = arith.constant 16 : index
    %get3A_108 = tpu.vector_load %arg9[%get3A_107] {strides = array<i32>} : memref<128xf32, #tpu.memory_space<vmem>>, vector<16xf32>,
    %mul3A_109 = vector.broadcast %squeeze3A : f32 to vector<16xf32>
    %mul3A_110 = arith.mulf %get3A_108, %mul3A_109 : vector<16xf32>
    %add3A_111 = vector.broadcast %squeeze3A_91 : f32 to vector<16xf32>
    %add3A_112 = arith.addf %mul3A_110, %add3A_111 : vector<16xf32>
    %neg3A_113 = arith.constant 0.000000e+00 : f32
    %neg3A_114 = vector.broadcast %neg3A_113 : f32 to vector<16xf32>
    %neg3A_115 = arith.subf %neg3A_114, %add3A_112 : vector<16xf32>
    %exp3A_116 = math.exp %neg3A_115 : vector<16xf32>
    %add3A_117 = arith.constant 1.000000e+00 : f32
    %add3A_118 = vector.broadcast %add3A_117 : f32 to vector<16xf32>
    %add3A_119 = arith.addf %add3A_118, %exp3A_116 : vector<16xf32>
    %div3A_120 = arith.constant 1.000000e+00 : f32
    %div3A_121 = vector.broadcast %div3A_120 : f32 to vector<16xf32>
    %div3A_122 = arith.divf %div3A_121, %add3A_119 : vector<16xf32>
    %swap3A_123 = arith.constant 16 : index
    %swap3A_124 = tpu.vector_load %arg9[%swap3A_123] {strides = array<i32>} : memref<128xf32, #tpu.memory_space<vmem>>, vector<16xf32>,
    tpu.vector_store %arg9[%swap3A_123], %div3A_122 {strides = array<i32>} : memref<128xf32, #tpu.memory_space<vmem>>, vector<16xf32>,
    %get3A_125 = arith.constant 32 : index
    %get3A_126 = tpu.vector_load %arg9[%get3A_125] {strides = array<i32>} : memref<128xf32, #tpu.memory_space<vmem>>, vector<16xf32>,
    %mul3A_127 = vector.broadcast %squeeze3A : f32 to vector<16xf32>
    %mul3A_128 = arith.mulf %get3A_126, %mul3A_127 : vector<16xf32>
    %add3A_129 = vector.broadcast %squeeze3A_91 : f32 to vector<16xf32>
    %add3A_130 = arith.addf %mul3A_128, %add3A_129 : vector<16xf32>
    %neg3A_131 = arith.constant 0.000000e+00 : f32
    %neg3A_132 = vector.broadcast %neg3A_131 : f32 to vector<16xf32>
    %neg3A_133 = arith.subf %neg3A_132, %add3A_130 : vector<16xf32>
    %exp3A_134 = math.exp %neg3A_133 : vector<16xf32>
    %add3A_135 = arith.constant 1.000000e+00 : f32
    %add3A_136 = vector.broadcast %add3A_135 : f32 to vector<16xf32>
    %add3A_137 = arith.addf %add3A_136, %exp3A_134 : vector<16xf32>
    %div3A_138 = arith.constant 1.000000e+00 : f32
    %div3A_139 = vector.broadcast %div3A_138 : f32 to vector<16xf32>
    %div3A_140 = arith.divf %div3A_139, %add3A_137 : vector<16xf32>
    %swap3A_141 = arith.constant 32 : index
    %swap3A_142 = tpu.vector_load %arg9[%swap3A_141] {strides = array<i32>} : memref<128xf32, #tpu.memory_space<vmem>>, vector<16xf32>,
    tpu.vector_store %arg9[%swap3A_141], %div3A_140 {strides = array<i32>} : memref<128xf32, #tpu.memory_space<vmem>>, vector<16xf32>,
    %get3A_143 = arith.constant 48 : index
    %get3A_144 = tpu.vector_load %arg9[%get3A_143] {strides = array<i32>} : memref<128xf32, #tpu.memory_space<vmem>>, vector<16xf32>,
    %mul3A_145 = vector.broadcast %squeeze3A : f32 to vector<16xf32>
    %mul3A_146 = arith.mulf %get3A_144, %mul3A_145 : vector<16xf32>
    %add3A_147 = vector.broadcast %squeeze3A_91 : f32 to vector<16xf32>
    %add3A_148 = arith.addf %mul3A_146, %add3A_147 : vector<16xf32>
    %neg3A_149 = arith.constant 0.000000e+00 : f32
    %neg3A_150 = vector.broadcast %neg3A_149 : f32 to vector<16xf32>
    %neg3A_151 = arith.subf %neg3A_150, %add3A_148 : vector<16xf32>
    %exp3A_152 = math.exp %neg3A_151 : vector<16xf32>
    %add3A_153 = arith.constant 1.000000e+00 : f32
    %add3A_154 = vector.broadcast %add3A_153 : f32 to vector<16xf32>
    %add3A_155 = arith.addf %add3A_154, %exp3A_152 : vector<16xf32>
    %div3A_156 = arith.constant 1.000000e+00 : f32
    %div3A_157 = vector.broadcast %div3A_156 : f32 to vector<16xf32>
    %div3A_158 = arith.divf %div3A_157, %add3A_155 : vector<16xf32>
    %swap3A_159 = arith.constant 48 : index
    %swap3A_160 = tpu.vector_load %arg9[%swap3A_159] {strides = array<i32>} : memref<128xf32, #tpu.memory_space<vmem>>, vector<16xf32>,
    tpu.vector_store %arg9[%swap3A_159], %div3A_158 {strides = array<i32>} : memref<128xf32, #tpu.memory_space<vmem>>, vector<16xf32>,
    %get3A_161 = arith.constant 64 : index
    %get3A_162 = tpu.vector_load %arg9[%get3A_161] {strides = array<i32>} : memref<128xf32, #tpu.memory_space<vmem>>, vector<16xf32>,
    %mul3A_163 = vector.broadcast %squeeze3A : f32 to vector<16xf32>
    %mul3A_164 = arith.mulf %get3A_162, %mul3A_163 : vector<16xf32>
    %add3A_165 = vector.broadcast %squeeze3A_91 : f32 to vector<16xf32>
    %add3A_166 = arith.addf %mul3A_164, %add3A_165 : vector<16xf32>
    %neg3A_167 = arith.constant 0.000000e+00 : f32
    %neg3A_168 = vector.broadcast %neg3A_167 : f32 to vector<16xf32>
    %neg3A_169 = arith.subf %neg3A_168, %add3A_166 : vector<16xf32>
    %exp3A_170 = math.exp %neg3A_169 : vector<16xf32>
    %add3A_171 = arith.constant 1.000000e+00 : f32
    %add3A_172 = vector.broadcast %add3A_171 : f32 to vector<16xf32>
    %add3A_173 = arith.addf %add3A_172, %exp3A_170 : vector<16xf32>
    %div3A_174 = arith.constant 1.000000e+00 : f32
    %div3A_175 = vector.broadcast %div3A_174 : f32 to vector<16xf32>
    %div3A_176 = arith.divf %div3A_175, %add3A_173 : vector<16xf32>
    %swap3A_177 = arith.constant 64 : index
    %swap3A_178 = tpu.vector_load %arg9[%swap3A_177] {strides = array<i32>} : memref<128xf32, #tpu.memory_space<vmem>>, vector<16xf32>,
    tpu.vector_store %arg9[%swap3A_177], %div3A_176 {strides = array<i32>} : memref<128xf32, #tpu.memory_space<vmem>>, vector<16xf32>,
    %get3A_179 = arith.constant 80 : index
    %get3A_180 = tpu.vector_load %arg9[%get3A_179] {strides = array<i32>} : memref<128xf32, #tpu.memory_space<vmem>>, vector<16xf32>,
    %mul3A_181 = vector.broadcast %squeeze3A : f32 to vector<16xf32>
    %mul3A_182 = arith.mulf %get3A_180, %mul3A_181 : vector<16xf32>
    %add3A_183 = vector.broadcast %squeeze3A_91 : f32 to vector<16xf32>
    %add3A_184 = arith.addf %mul3A_182, %add3A_183 : vector<16xf32>
    %neg3A_185 = arith.constant 0.000000e+00 : f32
    %neg3A_186 = vector.broadcast %neg3A_185 : f32 to vector<16xf32>
    %neg3A_187 = arith.subf %neg3A_186, %add3A_184 : vector<16xf32>
    %exp3A_188 = math.exp %neg3A_187 : vector<16xf32>
    %add3A_189 = arith.constant 1.000000e+00 : f32
    %add3A_190 = vector.broadcast %add3A_189 : f32 to vector<16xf32>
    %add3A_191 = arith.addf %add3A_190, %exp3A_188 : vector<16xf32>
    %div3A_192 = arith.constant 1.000000e+00 : f32
    %div3A_193 = vector.broadcast %div3A_192 : f32 to vector<16xf32>
    %div3A_194 = arith.divf %div3A_193, %add3A_191 : vector<16xf32>
    %swap3A_195 = arith.constant 80 : index
    %swap3A_196 = tpu.vector_load %arg9[%swap3A_195] {strides = array<i32>} : memref<128xf32, #tpu.memory_space<vmem>>, vector<16xf32>,
    tpu.vector_store %arg9[%swap3A_195], %div3A_194 {strides = array<i32>} : memref<128xf32, #tpu.memory_space<vmem>>, vector<16xf32>,
    %get3A_197 = arith.constant 96 : index
    %get3A_198 = tpu.vector_load %arg9[%get3A_197] {strides = array<i32>} : memref<128xf32, #tpu.memory_space<vmem>>, vector<16xf32>,
    %mul3A_199 = vector.broadcast %squeeze3A : f32 to vector<16xf32>
    %mul3A_200 = arith.mulf %get3A_198, %mul3A_199 : vector<16xf32>
    %add3A_201 = vector.broadcast %squeeze3A_91 : f32 to vector<16xf32>
    %add3A_202 = arith.addf %mul3A_200, %add3A_201 : vector<16xf32>
    %neg3A_203 = arith.constant 0.000000e+00 : f32
    %neg3A_204 = vector.broadcast %neg3A_203 : f32 to vector<16xf32>
    %neg3A_205 = arith.subf %neg3A_204, %add3A_202 : vector<16xf32>
    %exp3A_206 = math.exp %neg3A_205 : vector<16xf32>
    %add3A_207 = arith.constant 1.000000e+00 : f32
    %add3A_208 = vector.broadcast %add3A_207 : f32 to vector<16xf32>
    %add3A_209 = arith.addf %add3A_208, %exp3A_206 : vector<16xf32>
    %div3A_210 = arith.constant 1.000000e+00 : f32
    %div3A_211 = vector.broadcast %div3A_210 : f32 to vector<16xf32>
    %div3A_212 = arith.divf %div3A_211, %add3A_209 : vector<16xf32>
    %swap3A_213 = arith.constant 96 : index
    %swap3A_214 = tpu.vector_load %arg9[%swap3A_213] {strides = array<i32>} : memref<128xf32, #tpu.memory_space<vmem>>, vector<16xf32>,
    tpu.vector_store %arg9[%swap3A_213], %div3A_212 {strides = array<i32>} : memref<128xf32, #tpu.memory_space<vmem>>, vector<16xf32>,
    %get3A_215 = arith.constant 112 : index
    %get3A_216 = tpu.vector_load %arg9[%get3A_215] {strides = array<i32>} : memref<128xf32, #tpu.memory_space<vmem>>, vector<16xf32>,
    %mul3A_217 = vector.broadcast %squeeze3A : f32 to vector<16xf32>
    %mul3A_218 = arith.mulf %get3A_216, %mul3A_217 : vector<16xf32>
    %add3A_219 = vector.broadcast %squeeze3A_91 : f32 to vector<16xf32>
    %add3A_220 = arith.addf %mul3A_218, %add3A_219 : vector<16xf32>
    %neg3A_221 = arith.constant 0.000000e+00 : f32
    %neg3A_222 = vector.broadcast %neg3A_221 : f32 to vector<16xf32>
    %neg3A_223 = arith.subf %neg3A_222, %add3A_220 : vector<16xf32>
    %exp3A_224 = math.exp %neg3A_223 : vector<16xf32>
    %add3A_225 = arith.constant 1.000000e+00 : f32
    %add3A_226 = vector.broadcast %add3A_225 : f32 to vector<16xf32>
    %add3A_227 = arith.addf %add3A_226, %exp3A_224 : vector<16xf32>
    %div3A_228 = arith.constant 1.000000e+00 : f32
    %div3A_229 = vector.broadcast %div3A_228 : f32 to vector<16xf32>
    %div3A_230 = arith.divf %div3A_229, %add3A_227 : vector<16xf32>
    %swap3A_231 = arith.constant 112 : index
    %swap3A_232 = tpu.vector_load %arg9[%swap3A_231] {strides = array<i32>} : memref<128xf32, #tpu.memory_space<vmem>>, vector<16xf32>,
    tpu.vector_store %arg9[%swap3A_231], %div3A_230 {strides = array<i32>} : memref<128xf32, #tpu.memory_space<vmem>>, vector<16xf32>,
    "tpu.region"() ({
      %run_scoped3A = tpu.sem_alloc : memref<!tpu.dma_semaphore, #tpu.memory_space<semaphore_mem>>
      %dma_start3A_233 = tpu.memref_slice %arg7[%mul3A_2] : memref<4096xf32, #tpu.memory_space<hbm>> -> memref<128xf32, #tpu.memory_space<hbm>>
      %dma_start3A_234 = tpu.memref_slice %arg7[%mul3A_2] : memref<4096xf32, #tpu.memory_space<hbm>> -> memref<128xf32, #tpu.memory_space<hbm>>
      tpu.enqueue_dma source(%arg9 : memref<128xf32, #tpu.memory_space<vmem>>) target(%dma_start3A_234 : memref<128xf32, #tpu.memory_space<hbm>>) target_semaphore(%run_scoped3A : memref<!tpu.dma_semaphore, #tpu.memory_space<semaphore_mem>>)
      %dma_wait3A_235 = tpu.memref_slice %arg7[%mul3A_2] : memref<4096xf32, #tpu.memory_space<hbm>> -> memref<128xf32, #tpu.memory_space<hbm>>
      %dma_wait3A_236 = tpu.memref_slice %arg7[%mul3A_2] : memref<4096xf32, #tpu.memory_space<hbm>> -> memref<128xf32, #tpu.memory_space<hbm>>
      tpu.wait_dma2 semaphore(%run_scoped3A : memref<!tpu.dma_semaphore, #tpu.memory_space<semaphore_mem>>) src(%arg9 : memref<128xf32, #tpu.memory_space<vmem>>) dst(%dma_wait3A_236 : memref<128xf32, #tpu.memory_space<hbm>>)
      tpu.yield
    }) : () -> ()
    return
  }
}

</mosaic_0001>

<sc_bundles>
// kernel: kernel.3.cloned.1.call-start
scs
__scs_entry_jumppad:
0x0: {  	(pc) =	sbr.rel $0x88, $3  }
0x1: {  	(tag) =	ssettag $0x0;
	lr =	simm.s32 $0x1  }
0x2: {  	[smem:$0x3F9C] =	sst lr;
	_ =	strace $0xD0000000  }
0x3: {  	_ = 	snop  }
0x4: {  	_ = 	snop  }
0x5: {  	_ = 	snop  }
0x6: {  	_ = 	snop  }
0x7: {  	_ = 	snop  }
__scs_overlays_trampoline_lowered:
0x8: {  	[smem:$0x3FAB] =	sst s0  }
0x9: {  	[smem:$0x3FAC] =	sst s1  }
0xa: {  	[smem:$0x3FAD] =	sst s2  }
0xb: {  	[smem:$0x3FAE] =	sst s3  }
0xc: {  	[smem:$0x3FAF] =	sst s4  }
0xd: {  	[smem:$0x3FB0] =	sst s5  }
0xe: {  	[smem:$0x3FB1] =	sst s6  }
0xf: {  	[smem:$0x3FB2] =	sst s7  }
0x10: {  	[smem:$0x3FB3] =	sst s8  }
0x11: {  	[smem:$0x3FB4] =	sst s9;
	s0 =	simm.s32 @!p0 $0x0  }
0x12: {  	s1 =	sld [smem:$0x3F9A];
	s0 =	simm.s32 @p0 $0x1  }
0x13: {  	[smem:$0x3FB5] =	sst s0;
	s0 =	simm.s32 @!p1 $0x0  }
0x14: {  	s2 =	sld [smem:$0x3F99];
	s0 =	simm.s32 @p1 $0x1  }
0x15: {  	[smem:$0x3FB6] =	sst s0;
	s0 =	simm.s32 @!p2 $0x0  }
0x16: {  	s3 =	sld [smem:$0x3FDB];
	s0 =	simm.s32 @p2 $0x1  }
0x17: {  	s4 =	simm.s32 $0x1BF5;
	[smem:$0x3FB8] =	sst s0  }
0x18: {  	s0 =	sld [smem:$0x3F9B];
	_ =	swait.ge [sflag:s4], $0x0  }
0x19: {  	s7 =	sld [smem:$0x3F9C]  }
0x1a: {  	s8 =	sadd.s32 $0xFFFFE003, lr  }
0x1b: {  	s9 =	sadd.s32 $0xFFFFFEF7, lr;
	s5 =	simm.s32 $0xFFFFFFFF;
	p2 =	slt.u32 s8, $0xFFFFF086  }
0x1c: {  	p1 =	slt.u32 s9, $0xF7A;
	s5 =	simm.s32 @!p2 $0x0  }
0x1d: {  	s5 =	simm.s32 @p1 $0x1;
	p0 =	seq.s32 s7, s2  }
0x1e: {  	s7 =	smul.u32 @!p0 $0xF7A, s2;
	p2 =	seq.s32 @!p0 s5, $0x0  }
0x1f: {  	s9 =	smul.u32 $0xF7A, s1;
	s8 =	simm.s32 @!p0 $0x1BF5;
	p2 =	por !p2, p0  }
0x20: {  	[sflag:s8] =	ssyncset.s32 @!p0 $0xFFFFF086;
	s6 =	sadd.s32 @!p0 s3, s7;
	s7 =	simm.s32 @!p0 $0x108  }
0x21: {  	s3 =	sadd.s32 s3, s9;
	s6 =	sadd.s32 @!p0 $0x88, s6;
	s7 =	simm.s32 @p2 $0x1082  }
0x22: {  	[simem:s7], [sflag:s8] =	dma.local @!p0 [hbm:s6], $0xF7A  }
0x23: {  	s9 =	sor.u32 $0xD0000000, s2;
	s6 =	simm.s32 $0x108;
	_ =	swait.ge @!p0 [sflag:s8], $0x0  }
0x24: {  	s3 =	sadd.s32 $0x88, s3;
	s6 =	simm.s32 @!p1 $0x1082;
	[sflag:s4] =	ssyncset.s32 $0xFFFFF086  }
0x25: {  	[simem:s6], [sflag:s4] =	dma.local [hbm:s3], $0xF7A  }
0x26: {  	[smem:$0x3F9C] =	sst s1;
	(tag) =	ssettag s2;
	_ =	strace s9  }
0x27: {  	s1 =	sld [smem:$0x3FAC]  }
0x28: {  	s2 =	sld [smem:$0x3FAD]  }
0x29: {  	s4 =	sld [smem:$0x3FAF]  }
0x2a: {  	p0 =	seq.s32 s5, $0x0;
	s5 =	sld [smem:$0x3FB0]  }
0x2b: {  	s6 =	sld [smem:$0x3FB1]  }
0x2c: {  	s7 =	sld [smem:$0x3FB2]  }
0x2d: {  	s3 =	simm.s32 $0x108;
	s8 =	sld [smem:$0x3FB3]  }
0x2e: {  	s3 =	simm.s32 @!p0 $0x1082;
	s9 =	sld [smem:$0x3FB4]  }
0x2f: {  	lr =	sadd.s32 s0, s3;
	s0 =	sld [smem:$0x3FAB]  }
0x30: {  	s3 =	sld [smem:$0x3FAE]  }
0x31: {  	[smem:$0x3FB7] =	sst s10  }
0x32: {  	s10 =	sld [smem:$0x3FB5];
	_ =	sdelay $0x3  }
0x33: {  	p0 =	seq.s32 s10, $0x1;
	s10 =	sld [smem:$0x3FB7];
	_ =	sdelay $0x3  }
0x34: {  	[smem:$0x3FB7] =	sst s10  }
0x35: {  	s10 =	sld [smem:$0x3FB6];
	_ =	sdelay $0x3  }
0x36: {  	p1 =	seq.s32 s10, $0x1;
	s10 =	sld [smem:$0x3FB7];
	_ =	sdelay $0x3  }
0x37: {  	[smem:$0x3FB7] =	sst s10  }
0x38: {  	s10 =	sld [smem:$0x3FB8]  }
0x39: {  	_ = 	snop;
	(pc) =	sbr.ind lr, $3  }
0x3a: {  	_ = 	snop  }
0x3b: {  	_ = 	snop  }
0x3c: {  	p2 =	seq.s32 s10, $0x1;
	s10 =	sld [smem:$0x3FB7]  }
0x3d: {  	_ =	shalt  }
0x3e: {  	_ =	shalt  }
0x3f: {  	_ =	shalt  }
0x40: {  	_ =	shalt  }
0x41: {  	_ =	shalt  }
0x42: {  	_ =	shalt  }
0x43: {  	_ =	shalt  }
0x44: {  	_ =	shalt  }
0x45: {  	_ =	shalt  }
0x46: {  	_ =	shalt  }
0x47: {  	_ =	shalt  }
0x48: {  	_ =	shalt  }
0x49: {  	_ =	shalt  }
0x4a: {  	_ =	shalt  }
0x4b: {  	_ =	shalt  }
0x4c: {  	_ =	shalt  }
0x4d: {  	_ =	shalt  }
0x4e: {  	_ =	shalt  }
0x4f: {  	_ =	shalt  }
0x50: {  	_ =	shalt  }
0x51: {  	_ =	shalt  }
0x52: {  	_ =	shalt  }
0x53: {  	_ =	shalt  }
0x54: {  	_ =	shalt  }
0x55: {  	_ =	shalt  }
0x56: {  	_ =	shalt  }
0x57: {  	_ =	shalt  }
0x58: {  	_ =	shalt  }
0x59: {  	_ =	shalt  }
0x5a: {  	_ =	shalt  }
0x5b: {  	_ =	shalt  }
0x5c: {  	_ =	shalt  }
0x5d: {  	_ =	shalt  }
0x5e: {  	_ =	shalt  }
0x5f: {  	_ =	shalt  }
0x60: {  	_ =	shalt  }
0x61: {  	_ =	shalt  }
0x62: {  	_ =	shalt  }
0x63: {  	_ =	shalt  }
0x64: {  	_ =	shalt  }
0x65: {  	_ =	shalt  }
0x66: {  	_ =	shalt  }
0x67: {  	_ =	shalt  }
0x68: {  	_ =	shalt  }
0x69: {  	_ =	shalt  }
0x6a: {  	_ =	shalt  }
0x6b: {  	_ =	shalt  }
0x6c: {  	_ =	shalt  }
0x6d: {  	_ =	shalt  }
0x6e: {  	_ =	shalt  }
0x6f: {  	_ =	shalt  }
0x70: {  	_ =	shalt  }
0x71: {  	_ =	shalt  }
0x72: {  	_ =	shalt  }
0x73: {  	_ =	shalt  }
0x74: {  	_ =	shalt  }
0x75: {  	_ =	shalt  }
0x76: {  	_ =	shalt  }
0x77: {  	_ =	shalt  }
0x78: {  	_ =	shalt  }
0x79: {  	_ =	shalt  }
0x7a: {  	_ =	shalt  }
0x7b: {  	_ =	shalt  }
0x7c: {  	_ =	shalt  }
0x7d: {  	_ =	shalt  }
0x7e: {  	_ =	shalt  }
0x7f: {  	_ =	shalt  }
0x80: {  	_ =	shalt  }
0x81: {  	_ =	shalt  }
0x82: {  	_ =	shalt  }
0x83: {  	_ =	shalt  }
0x84: {  	_ =	shalt  }
0x85: {  	_ =	shalt  }
0x86: {  	_ =	shalt  }
0x87: {  	_ =	shalt  }
.Lfunc_end0:
.L_simem_size_0:
called_computation_lowered:
.L_overlay_start_0:
0x88: {  	s2 =	sld [smem:$0x3FD9]  }
0x89: {  	s3 =	sld [smem:$0x3FFE];
	_ =	sdelay $0x1  }
0x8a: {  	s1 =	srdreg.scid  }
0x8b: {  	s0 =	sand.u32 $0x1, s1  }
0x8c: {  	s17 =	sshll.u32 s0, $0xA;
	s2 =	sadd.s32 s3, s2  }
0x8d: {  	s2 =	sadd.s32 s2, s17  }
0x8e: {  	[smem:$0x3FC3] =	sst s2  }
0x8f: {  	_ = 	snop  }
0x90: {  	s2 =	sld [smem:$0x3FC8]  }
0x91: {  	s18 =	sld [smem:$0x3FC6]  }
0x92: {  	s4 =	sld [smem:$0x3FC5]  }
0x93: {  	s5 =	sld [smem:$0x3FD0];
	(tm) =	ssettm $0x1  }
0x94: {  	s6 =	sld [smem:$0x3FFB];
	_ =	sdelay $0x3  }
0x95: {  	_ =	strace s6  }
0x96: {  	s6 =	sld [smem:$0x3FFC];
	_ =	sdelay $0x3  }
0x97: {  	_ =	strace s6  }
0x98: {  	s6 =	sld [smem:$0x3FFD];
	_ =	sdelay $0x3  }
0x99: {  	_ =	strace s6  }
0x9a: {  	_ =	strace $0x8FFFFFFF  }
0x9b: {  	s19 =	sld [smem:$0x3FDB];
	_ =	sdelay $0x1  }
0x9c: {  	s7 =	simm.s32 $_scs_section_size  }
0x9d: {  	s8 =	simm.s32 $_size__tile_overlayer_lowered;
	s9 =	simm.s32 $_tile_overlayer_lowered  }
0x9e: {  	s22 =	simm.s32 $0x1BFF;
	s21 =	sshll.u32 s9, $0x1;
	s6 =	sadd.s32 s7, s19  }
0x9f: {  	s10 =	simm.s32 $0x0;
	s20 =	sshll.u32 s8, $0x1;
	s8 =	sadd.s32 s21, s6  }
0xa0: {  	[timem:s10], [sflag:s22] =	dma.local [hbm:s8], s20  }
0xa1: {  	_ =	swait.ge [sflag:s22], s20  }
0xa2: {  	s7 =	ssub.s32 $0x0, s20;
	[sflag:s22] =	ssyncset.done $0x0  }
0xa3: {  	[sflag:s22] =	ssyncadd.s32 s7;
	_ =	sdelay $0x1  }
0xa4: {  	s23 =	simm.s32 $0x1B8B  }
0xa5: {  	_ =	swait.ge [sflag:s23], $0x1  }
0xa6: {  	[sflag:s23] =	ssyncset.done $0x0  }
0xa7: {  	s25 =	simm.s32 $0x1B8E;
	s24 =	sld [smem:$0x3FFE];
	[sflag:s23] =	ssyncadd.s32 $0xFFFFFFFF  }
0xa8: {  	s26 =	simm.s32 $execute0_lowered;
	[smem:$0x3FD2] =	sst s25  }
0xa9: {  	s8 =	sshll.u32 s26, $0x1;
	_ =	strace $0x80000046;
	[dreg:$0x1] =	wrdreg $0xFFFFFFFF  }
0xaa: {  	s28 =	simm.s32 $_size_execute0_lowered;
	s6 =	sadd.s32 s6, s8;
	[dreg:$0x0] =	wrdreg $0x0  }
0xab: {  	s8 =	sshll.u32 s28, $0x1;
	[dreg:$0x2] =	wrdreg s6  }
0xac: {  	[dreg:$0x3] =	wrdreg s8  }
0xad: {  	[dreg:$0x4] =	wrdreg $0xC0  }
0xae: {  	_ =	task [dreg:s10], $0x5FFFF  }
0xaf: {  	[dreg:$0x1] =	wrdreg $0xFFFFFFFF  }
0xb0: {  	[dreg:$0x0] =	wrdreg $0x60  }
0xb1: {  	[dreg:$0x2] =	wrdreg s24  }
0xb2: {  	[dreg:$0x3] =	wrdreg s2  }
0xb3: {  	[dreg:$0x4] =	wrdreg s18  }
0xb4: {  	[dreg:$0x5] =	wrdreg s4  }
0xb5: {  	[dreg:$0x6] =	wrdreg s5  }
0xb6: {  	[dreg:$0x7] =	wrdreg $0x41000  }
0xb7: {  	[dreg:$0x8] =	wrdreg $0x9  }
0xb8: {  	_ =	task.clear_ibuf [dreg:s10], $0x9FFFF;
	_ =	strace $0x90000046  }
0xb9: {  	s29 =	simm.s32 $0x9;
	_ =	strace $0x80000048  }
0xba: {  	_ =	swait.ge [sflag:s29], $0x1  }
0xbb: {  	[sflag:s29] =	ssyncadd.s32 $0xFFFFFFFF  }
0xbc: {  	_ =	strace $0x90000048  }
0xbd: {  	_ =	sfence  }
0xbe: {  	s30 =	sld [smem:$0x0];
	_ =	sdelay $0x2  }
0xbf: {  	s31 =	sshll.u32 s1, $0xD;
	s1 =	sshrl.u32 s1, $0x2  }
0xc0: {  	s3 =	sand.u32 $0x4000, s31;
	s1 =	sadd.s32 s1, s30  }
0xc1: {  	s0 =	sor.u32 s3, s0;
	s1 =	sshll.u32 s1, $0x11  }
0xc2: {  	s0 =	sor.u32 s1, s0  }
0xc3: {  	s0 =	sadd.s32 $0x8F2B, s0  }
0xc4: {  	[sflag:s0] =	ssyncadd.remote.s32 $0x1  }
0xc5: {  	_ =	sfence.sel $0xFFFF  }
0xc6: {  	[dreg:$0x0] =	wrdreg $0xFFFFFFFF;
	(pc) =	sbr.abs _section_cstart, $3  }
0xc7: {  	[dreg:$0x1] =	wrdreg $0xFFFFFFFF  }
0xc8: {  	_ =	task.clear_ibuf [dreg:s10], $0x2FFFF;
	_ =	strace $0x9FFFFFFF  }
0xc9: {  	(tm) =	ssettm $0x7FFFFFFF  }
tec
execute0_lowered:
.L_overlay_start_1:
0x0: {  	(tag) =	ssettag $0x1  }
0x1: {  	s0 =	rddreg [dreg:$0x0]  }
0x2: {  	s1 =	rddreg [dreg:$0x1]  }
0x3: {  	s2 =	rddreg [dreg:$0x4]  }
0x4: {  	s4 =	rddreg [dreg:$0x5];
	s6 =	simm.s32 $0x0  }
0x5: {  	s3 =	srdreg.scid;
	s14 =	stileid.u32;
	s16 =	simm.s32 $0x2  }
0x6: {  	s17 =	simm.s32 $0x3;
	s18 =	simm.s32 $0x1;
	s19 =	simm.s32 $0x64  }
0x7: {  	s29 =	simm.s32 $0x10DF0;
	s30 =	simm.s32 $0x14370;
	s31 =	simm.s32 $0x5  }
0x8: {  	s15 =	simm.s32 $0x9;
	s20 =	simm.s32 $0x0;
	[smem:$0x7FF] =	sst s6  }
0x9: {  	s3 =	sand.u32 $0x1, s3;
	s5 =	sshll.u32 s14, $0x8;
	s9 =	smul.u32 $0x1870, s14  }
0xa: {  	s11 =	sadd.s32 $0x16E90, s4;
	p0 =	seq.s32 s14, $0xF;
	s14 =	simm.s32 $0x8  }
0xb: {  	s7 =	sshll.u32 s3, $0x7;
	_ =	strace $0x80000047;
	s3 =	ssub.s32 $0x2, s3  }
0xc: {  	s5 =	sor.u32 s7, s5;
	s8 =	sshrl.u32 s9, $0x3;
	s10 =	sshrl.u32 s3, $0x1  }
0xd: {  	s9 =	sadd.s32 s9, s4;
	s7 =	sshll.u32 s5, $0x4;
	s8 =	sadd.s32 s8, s0  }
0xe: {  	s3 =	ssub.s32 s3, s10;
	s10 =	sadd.s32 $0x12FD2, s0;
	s28 =	sshrl.u32 s5, $0x3  }
0xf: {  	s5 =	simm.s32 $0x6;
	s7 =	sadd.s32 s7, s0;
	s8 =	sadd.s32 $0x10200, s8  }
0x10: {  	s12 =	sadd.s32 s2, s28;
	s13 =	smax.u32 s3, $0x1;
	s0 =	simm.s32 $0x4000  }
0x11: {  	v0 =	vimm.f32 $0.0e+00;
	s2 =	simm.s32 $0x7;
	s3 =	simm.s32 $0x4;
	s7 =	sadd.s32 $0x200, s7  }
.LBB2_1:
0x12: {  	[tilespmem:s6], [sflag:$0x1] =	stream.linear.gather [hbm4b:s7+s6], $0x4000, $0x38;
	[tilespmem:$0x143F0] =	vst v63  }
0x13: {  	s21 =	rddreg [dreg:$0x2];
	s22 =	simm.s32 $0x4080  }
0x14: {  	[tilespmem:s22], [sflag:$0x2] =	stream.linear.gather [hbm4b:s21+s6], $0x1, $0x38;
	[tilespmem:$0x143F0] =	vst v63  }
0x15: {  	s24 =	rddreg [dreg:$0x3];
	s25 =	simm.s32 $0x4088  }
0x16: {  	[tilespmem:s25], [sflag:$0x3] =	stream.linear.gather [hbm4b:s24+s6], $0x1, $0x38;
	[tilespmem:$0x143F0] =	vst v63  }
0x17: {  	s21 =	simm.s32 @p0 $0x0;
	s22 =	simm.s32 @p0 $0x5970  }
0x18: {  	[tilespmem:s22], [sflag:$0x9] =	stream.linear.gather @p0 [hbm4b:s10+s21], $0x1810, $0x38;
	[tilespmem:$0x143F0] =	vst v63  }
0x19: {  	s21 =	simm.s32 @p0 $0x9  }
0x1a: {  	_ =	swait.ge @p0 [sflag:s21], $0x1810  }
0x1b: {  	[sflag:s21] =	ssyncset.done @p0 $0x0  }
0x1c: {  	[sflag:s21] =	ssyncadd.s32 @p0 $0xFFFFE7F0  }
0x1d: {  	[spmem:s11] =	stream.linear.scatter @p0 [tilespmem:s22], [sflag:$0x9], $0x1810, $0x38;
	[tilespmem:$0x143F0] =	vst v63  }
0x1e: {  	_ =	swait.ge @p0 [sflag:s21], $0x1810  }
0x1f: {  	[sflag:s21] =	ssyncset.done @p0 $0x0  }
0x20: {  	s22 =	simm.s32 @!p0 $0x5970;
	[sflag:s21] =	ssyncadd.s32 @p0 $0xFFFFE7F0;
	s21 =	simm.s32 @!p0 $0x0  }
0x21: {  	[tilespmem:s22], [sflag:$0x9] =	stream.linear.gather @!p0 [hbm4b:s8+s21], $0x1870, $0x38;
	[tilespmem:$0x143F0] =	vst v63  }
0x22: {  	s21 =	simm.s32 @!p0 $0x9  }
0x23: {  	_ =	swait.ge @!p0 [sflag:s21], $0x1870  }
0x24: {  	[sflag:s21] =	ssyncset.done @!p0 $0x0  }
0x25: {  	[sflag:s21] =	ssyncadd.s32 @!p0 $0xFFFFE790  }
0x26: {  	[spmem:s9] =	stream.linear.scatter @!p0 [tilespmem:s22], [sflag:$0x9], $0x1870, $0x38;
	[tilespmem:$0x143F0] =	vst v63  }
0x27: {  	_ =	swait.ge @!p0 [sflag:s21], $0x1870  }
0x28: {  	[sflag:s21] =	ssyncset.done @!p0 $0x0  }
0x29: {  	[sflag:s21] =	ssyncadd.s32 @!p0 $0xFFFFE790  }
0x2a: {  	_ =	swait.ge [sflag:s16], $0x1  }
0x2b: {  	[sflag:s16] =	ssyncset.done $0x0  }
0x2c: {  	[sflag:s16] =	ssyncadd.s32 $0xFFFFFFFF  }
0x2d: {  	_ =	swait.ge [sflag:s17], $0x1  }
0x2e: {  	[sflag:s17] =	ssyncset.done $0x0  }
0x2f: {  	[sflag:s17] =	ssyncadd.s32 $0xFFFFFFFF  }
0x30: {  	_ =	swait.ge [sflag:s18], $0x4000  }
0x31: {  	[sflag:s18] =	ssyncset.done $0x0  }
0x32: {  	[sflag:s18] =	ssyncadd.s32 $0xFFFFC000  }
0x33: {  	[tilespmem:$0x14250] =	vst v0  }
0x34: {  	[tilespmem:$0x142D0] =	vst v0  }
0x35: {  	[tilespmem:$0x14350] =	vst v0  }
0x36: {  	s26 =	simm.s32 $0x71F0;
	[tilespmem:$0x143D0] =	vst v0  }
0x37: {  	[tilespmem:s26], [sflag:$0x1] =	stream.indirect.gather [hbm4b:s1+s19], $0x80, s6, s19, $0xb8;
	[tilespmem:$0x143F0] =	vst v63  }
0x38: {  	s28 =	simm.s32 $0x80;
	s23 =	simm.s32 $0xA5F0  }
0x39: {  	[tilespmem:s23], [sflag:$0x2] =	stream.indirect.gather [hbm4b:s1+s19], $0x80, s28, s19, $0xb8;
	[tilespmem:$0x143F0] =	vst v63  }
0x3a: {  	s24 =	simm.s32 $0x100;
	s23 =	simm.s32 $0xD9F0  }
0x3b: {  	[tilespmem:s23], [sflag:$0x3] =	stream.indirect.gather [hbm4b:s1+s19], $0x80, s24, s19, $0xb8;
	[tilespmem:$0x143F0] =	vst v63  }
0x3c: {  	s25 =	simm.s32 $0x141F0;
	[bflag:$0x0] =	sbarrier.arrive $0xFFFF  }
0x3d: {  	[tilespmem:s25], [sflag:$0x5] =	stream.indirect.gather [spmem:s4], $0x1, s6, s19, $0xb8;
	[tilespmem:$0x143F0] =	vst v63  }
0x3e: {  	s26 =	simm.s32 $0x14270  }
0x3f: {  	[tilespmem:s26], [sflag:$0x6] =	stream.indirect.gather [spmem:s4], $0x1, s28, s19, $0xb8;
	[tilespmem:$0x143F0] =	vst v63  }
0x40: {  	s22 =	simm.s32 $0x0;
	s28 =	simm.s32 $0x142F0  }
0x41: {  	[tilespmem:s28], [sflag:$0x7] =	stream.indirect.gather [spmem:s4], $0x1, s24, s19, $0xb8;
	[tilespmem:$0x143F0] =	vst v63  }
.LBB2_2:
0x42: {  	s24 =	sshllo.u32 s22, $0x2  }
0x43: {  	s21 =	sshll.u32 s24, $0x7  }
0x44: {  	s21 =	sand.u32 $0x3FFFFF80, s21  }
0x45: {  	[tilespmem:s29], [sflag:$0x4] =	stream.indirect.gather [hbm4b:s1+s19], $0x80, s21, s19, $0xb8;
	[tilespmem:$0x143F0] =	vst v63  }
0x46: {  	_ = 	snop  }
0x47: {  	[tilespmem:s30], [sflag:$0x8] =	stream.indirect.gather [spmem:s4], $0x1, s21, s19, $0xb8;
	[tilespmem:$0x143F0] =	vst v63  }
0x48: {  	_ =	swait.ge [sflag:s18], $0x3200  }
0x49: {  	[sflag:s18] =	ssyncset.done $0x0  }
0x4a: {  	[sflag:s18] =	ssyncadd.s32 $0xFFFFCE00  }
0x4b: {  	_ =	swait.ge [sflag:s31], $0x64  }
0x4c: {  	[sflag:s31] =	ssyncset.done $0x0  }
0x4d: {  	s28 =	simm.s32 $0x72F0;
	[sflag:s31] =	ssyncadd.s32 $0xFFFFFF9C  }
0x4e: {  	v2 =	vld [tilespmem:s28+$0xFFFFFF00]  }
0x4f: {  	v3 =	vld [tilespmem:s28+$0xFFFFFF10]  }
0x50: {  	v4 =	vld [tilespmem:s28+$0xFFFFFF80]  }
0x51: {  	v5 =	vld [tilespmem:s28+$0xFFFFFF90]  }
0x52: {  	v6 =	vld [tilespmem:s28+$0x0]  }
0x53: {  	v1 =	vimm.f32 $0.0e+00;
	v8 =	vld [tilespmem:s28+$0x10];
	v7 =	vmul.f32 v2, v2  }
0x54: {  	v12 =	vld [tilespmem:s28+$0x90];
	v9 =	vmul.f32 v3, v3;
	v2 =	vadd.f32 v2, v1  }
0x55: {  	v10 =	vld [tilespmem:s28+$0x80];
	v11 =	vmul.f32 v4, v4;
	v3 =	vadd.f32 v3, v1;
	v7 =	vadd.f32 v7, v1  }
0x56: {  	v13 =	vld [tilespmem:s28+$0xFFFFFF20];
	v14 =	vmul.f32 v5, v5;
	v9 =	vadd.f32 v9, v1;
	v2 =	vadd.f32 v4, v2  }
0x57: {  	v15 =	vld [tilespmem:s28+$0xFFFFFF30];
	v3 =	vadd.f32 v5, v3;
	v4 =	vadd.f32 v11, v7;
	v7 =	vmul.f32 v6, v6  }
0x58: {  	v5 =	vadd.f32 v14, v9;
	v9 =	vld [tilespmem:s28+$0xFFFFFFA0];
	v11 =	vmul.f32 v8, v8;
	v2 =	vadd.f32 v6, v2  }
0x59: {  	v16 =	vmul.f32 v12, v12;
	v6 =	vld [tilespmem:s28+$0xFFFFFFB0];
	v3 =	vadd.f32 v8, v3;
	v7 =	vadd.f32 v7, v4  }
0x5a: {  	v14 =	vmul.f32 v10, v10;
	v8 =	vadd.f32 v11, v5;
	v11 =	vld [tilespmem:s28+$0x20];
	v4 =	vadd.f32 v10, v2  }
0x5b: {  	v17 =	vld [tilespmem:s28+$0x30];
	v10 =	vmul.f32 v13, v13;
	v5 =	vadd.f32 v12, v3;
	v12 =	vadd.f32 v13, v1  }
0x5c: {  	v2 =	vadd.f32 v14, v7;
	v7 =	vmul.f32 v15, v15;
	v3 =	vadd.f32 v16, v8;
	v8 =	vld [tilespmem:s28+$0xA0]  }
0x5d: {  	v10 =	vadd.f32 v10, v1;
	v15 =	vadd.f32 v15, v1;
	v16 =	vld [tilespmem:s28+$0xFFFFFF40];
	v13 =	vmul.f32 v9, v9  }
0x5e: {  	v14 =	vld [tilespmem:s28+$0xB0];
	v18 =	vmul.f32 v6, v6;
	v9 =	vadd.f32 v9, v12;
	v7 =	vadd.f32 v7, v1  }
0x5f: {  	v12 =	vld [tilespmem:s28+$0xFFFFFF50];
	v6 =	vadd.f32 v6, v15;
	v10 =	vadd.f32 v13, v10;
	v13 =	vmul.f32 v11, v11  }
0x60: {  	v15 =	vld [tilespmem:s28+$0xFFFFFFC0];
	v9 =	vadd.f32 v11, v9;
	v7 =	vadd.f32 v18, v7;
	v18 =	vmul.f32 v17, v17  }
0x61: {  	v11 =	vld [tilespmem:s28+$0xFFFFFFD0];
	v6 =	vadd.f32 v17, v6;
	v10 =	vadd.f32 v13, v10;
	v13 =	vmul.f32 v8, v8  }
0x62: {  	v9 =	vadd.f32 v8, v9;
	v20 =	vmul.f32 v16, v16;
	v17 =	vadd.f32 v18, v7;
	v18 =	vld [tilespmem:s28+$0x40]  }
0x63: {  	v22 =	vld [tilespmem:s28+$0x50];
	v19 =	vmul.f32 v14, v14;
	v8 =	vadd.f32 v14, v6;
	v14 =	vadd.f32 v16, v1  }
0x64: {  	v7 =	vadd.f32 v13, v10;
	v10 =	vmul.f32 v12, v12;
	v13 =	vld [tilespmem:s28+$0xC0];
	v16 =	vadd.f32 v20, v1  }
0x65: {  	v12 =	vadd.f32 v12, v1;
	v6 =	vadd.f32 v19, v17;
	v17 =	vmul.f32 v15, v15;
	v19 =	vld [tilespmem:s28+$0xD0]  }
0x66: {  	v25 =	vld [tilespmem:s28+$0xFFFFFF60];
	v21 =	vmul.f32 v11, v11;
	v14 =	vadd.f32 v15, v14;
	v10 =	vadd.f32 v10, v1  }
0x67: {  	v20 =	vld [tilespmem:s28+$0xFFFFFF70];
	v11 =	vadd.f32 v11, v12;
	v15 =	vadd.f32 v17, v16;
	v16 =	vmul.f32 v18, v18  }
0x68: {  	v23 =	vld [tilespmem:s28+$0xFFFFFFE0];
	v12 =	vmul.f32 v22, v22;
	v10 =	vadd.f32 v21, v10;
	v14 =	vadd.f32 v18, v14  }
0x69: {  	v21 =	vld [tilespmem:s28+$0xFFFFFFF0];
	v17 =	vadd.f32 v22, v11;
	v15 =	vadd.f32 v16, v15;
	v16 =	vmul.f32 v13, v13  }
0x6a: {  	v22 =	vld [tilespmem:s28+$0x60];
	v10 =	vadd.f32 v12, v10;
	v26 =	vmul.f32 v19, v19;
	v13 =	vadd.f32 v13, v14  }
0x6b: {  	v18 =	vld [tilespmem:s28+$0x70];
	v14 =	vmul.f32 v25, v25;
	v12 =	vadd.f32 v19, v17;
	v11 =	vadd.f32 v16, v15  }
0x6c: {  	v24 =	vmul.f32 v20, v20;
	v19 =	vld [tilespmem:s28+$0xE0];
	v10 =	vadd.f32 v26, v10;
	v15 =	vadd.f32 v25, v1  }
0x6d: {  	s25 =	sshll.u32 s22, $0x2;
	s26 =	simm.s32 $0x0;
	s21 =	simm.s32 $0x74F0;
	v17 =	vld [tilespmem:s28+$0xF0];
	v16 =	vadd.f32 v14, v1;
	v25 =	vmul.f32 v23, v23;
	v14 =	vimm.f32 $0.0e+00  }
.LBB2_3:
0x6e: {  	v26 =	vld [tilespmem:s21+$0xFFFFFF00];
	v1 =	vadd.f32 v20, v1;
	v14 =	vadd.f32 v24, v14;
	v20 =	vmul.f32 v21, v21  }
0x6f: {  	v24 =	vld [tilespmem:s21+$0xFFFFFF10];
	v15 =	vadd.f32 v23, v15;
	v16 =	vadd.f32 v25, v16;
	v23 =	vmul.f32 v22, v22  }
0x70: {  	v25 =	vld [tilespmem:s21+$0xFFFFFF80];
	v1 =	vadd.f32 v21, v1;
	v14 =	vadd.f32 v20, v14;
	v20 =	vmul.f32 v18, v18  }
0x71: {  	v21 =	vld [tilespmem:s21+$0xFFFFFF90];
	v15 =	vadd.f32 v22, v15;
	v16 =	vadd.f32 v23, v16;
	v22 =	vmul.f32 v19, v19  }
0x72: {  	v23 =	vld [tilespmem:s21+$0x0];
	v1 =	vadd.f32 v18, v1;
	v14 =	vadd.f32 v20, v14;
	v18 =	vmul.f32 v17, v17  }
0x73: {  	v20 =	vmul.f32 v26, v26;
	v27 =	vld [tilespmem:s21+$0x10];
	v15 =	vadd.f32 v19, v15;
	v16 =	vadd.f32 v22, v16  }
0x74: {  	v19 =	vmul.f32 v24, v24;
	v22 =	vld [tilespmem:s21+$0x80];
	v1 =	vadd.f32 v17, v1;
	v14 =	vadd.f32 v18, v14  }
0x75: {  	v4 =	vadd.f32 v26, v4;
	v2 =	vadd.f32 v20, v2;
	v17 =	vmul.f32 v25, v25;
	v18 =	vld [tilespmem:s21+$0x90]  }
0x76: {  	v5 =	vadd.f32 v24, v5;
	v3 =	vadd.f32 v19, v3;
	v19 =	vld [tilespmem:s21+$0xFFFFFF20];
	v20 =	vmul.f32 v21, v21  }
0x77: {  	v4 =	vadd.f32 v25, v4;
	v24 =	vld [tilespmem:s21+$0xFFFFFF30];
	v2 =	vadd.f32 v17, v2;
	v17 =	vmul.f32 v23, v23  }
0x78: {  	v5 =	vadd.f32 v21, v5;
	v3 =	vadd.f32 v20, v3;
	v20 =	vld [tilespmem:s21+$0xFFFFFFA0];
	v21 =	vmul.f32 v27, v27  }
0x79: {  	v4 =	vadd.f32 v23, v4;
	v25 =	vld [tilespmem:s21+$0xFFFFFFB0];
	v2 =	vadd.f32 v17, v2;
	v17 =	vmul.f32 v22, v22  }
0x7a: {  	v5 =	vadd.f32 v27, v5;
	v3 =	vadd.f32 v21, v3;
	v21 =	vld [tilespmem:s21+$0x20];
	v23 =	vmul.f32 v18, v18  }
0x7b: {  	v4 =	vadd.f32 v22, v4;
	v26 =	vmul.f32 v19, v19;
	v27 =	vld [tilespmem:s21+$0x30];
	v2 =	vadd.f32 v17, v2  }
0x7c: {  	v5 =	vadd.f32 v18, v5;
	v17 =	vmul.f32 v24, v24;
	v3 =	vadd.f32 v23, v3;
	v18 =	vld [tilespmem:s21+$0xA0]  }
0x7d: {  	v9 =	vadd.f32 v19, v9;
	v7 =	vadd.f32 v26, v7;
	v19 =	vmul.f32 v20, v20;
	v22 =	vld [tilespmem:s21+$0xB0]  }
0x7e: {  	v8 =	vadd.f32 v24, v8;
	v6 =	vadd.f32 v17, v6;
	v17 =	vld [tilespmem:s21+$0xFFFFFF40];
	v23 =	vmul.f32 v25, v25  }
0x7f: {  	v9 =	vadd.f32 v20, v9;
	v24 =	vld [tilespmem:s21+$0xFFFFFF50];
	v7 =	vadd.f32 v19, v7;
	v19 =	vmul.f32 v21, v21  }
0x80: {  	v8 =	vadd.f32 v25, v8;
	v6 =	vadd.f32 v23, v6;
	v23 =	vld [tilespmem:s21+$0xFFFFFFC0];
	v20 =	vmul.f32 v27, v27  }
0x81: {  	v9 =	vadd.f32 v21, v9;
	v25 =	vld [tilespmem:s21+$0xFFFFFFD0];
	v7 =	vadd.f32 v19, v7;
	v19 =	vmul.f32 v18, v18  }
0x82: {  	v8 =	vadd.f32 v27, v8;
	v6 =	vadd.f32 v20, v6;
	v26 =	vld [tilespmem:s21+$0x40];
	v20 =	vmul.f32 v22, v22  }
0x83: {  	v9 =	vadd.f32 v18, v9;
	v21 =	vmul.f32 v17, v17;
	v27 =	vld [tilespmem:s21+$0x50];
	v7 =	vadd.f32 v19, v7  }
0x84: {  	v8 =	vadd.f32 v22, v8;
	v18 =	vmul.f32 v24, v24;
	v6 =	vadd.f32 v20, v6;
	v19 =	vld [tilespmem:s21+$0xC0]  }
0x85: {  	v13 =	vadd.f32 v17, v13;
	v11 =	vadd.f32 v21, v11;
	v17 =	vmul.f32 v23, v23;
	v28 =	vld [tilespmem:s21+$0xD0]  }
0x86: {  	v12 =	vadd.f32 v24, v12;
	v10 =	vadd.f32 v18, v10;
	v29 =	vld [tilespmem:s21+$0xFFFFFF60];
	v18 =	vmul.f32 v25, v25  }
0x87: {  	s26 =	sadd.s32 $0x4, s26;
	v13 =	vadd.f32 v23, v13;
	v20 =	vld [tilespmem:s21+$0xFFFFFF70];
	v11 =	vadd.f32 v17, v11;
	v17 =	vmul.f32 v26, v26  }
0x88: {  	p1 =	slt.u32 s26, $0x60;
	v12 =	vadd.f32 v25, v12;
	v10 =	vadd.f32 v18, v10;
	v23 =	vld [tilespmem:s21+$0xFFFFFFE0];
	v18 =	vmul.f32 v27, v27  }
.Ltmp0:
0x89: {  	v13 =	vadd.f32 v26, v13;
	v21 =	vld [tilespmem:s21+$0xFFFFFFF0];
	v11 =	vadd.f32 v17, v11;
	v17 =	vmul.f32 v19, v19;
	(pc) =	sbr.rel @p1 .LBB2_3-.Ltmp0, $4  }
0x8a: {  	v12 =	vadd.f32 v27, v12;
	v10 =	vadd.f32 v18, v10;
	v22 =	vld [tilespmem:s21+$0x60];
	v25 =	vmul.f32 v28, v28  }
0x8b: {  	v13 =	vadd.f32 v19, v13;
	v26 =	vmul.f32 v29, v29;
	v18 =	vld [tilespmem:s21+$0x70];
	v11 =	vadd.f32 v17, v11  }
0x8c: {  	v12 =	vadd.f32 v28, v12;
	v24 =	vmul.f32 v20, v20;
	v10 =	vadd.f32 v25, v10;
	v19 =	vld [tilespmem:s21+$0xE0]  }
0x8d: {  	v15 =	vadd.f32 v29, v15;
	v16 =	vadd.f32 v26, v16;
	v25 =	vmul.f32 v23, v23;
	v17 =	vld [tilespmem:s21+$0xF0];
	s21 =	sadd.s32 $0x200, s21  }
0x8e: {  	v1 =	vadd.f32 v20, v1;
	v14 =	vadd.f32 v24, v14;
	v20 =	vmul.f32 v21, v21  }
0x8f: {  	v4 =	vmul.f32 v4, v4;
	v5 =	vmul.f32 v5, v5;
	v2 =	vadd.f32 v3, v2  }
0x90: {  	v15 =	vadd.f32 v23, v15;
	v16 =	vadd.f32 v25, v16;
	v23 =	vmul.f32 v22, v22  }
0x91: {  	v1 =	vadd.f32 v21, v1;
	v4 =	vadd.f32 v5, v4;
	v5 =	vmul.f32 v9, v9  }
0x92: {  	v3 =	vld [tilespmem:$0x141F0];
	v14 =	vadd.f32 v20, v14;
	v9 =	vmul.f32 v18, v18;
	v2 =	vadd.f32 v7, v2  }
0x93: {  	v15 =	vadd.f32 v22, v15;
	v4 =	vadd.f32 v5, v4;
	v5 =	vmul.f32 v8, v8;
	v8 =	vld [tilespmem:$0x14200]  }
0x94: {  	v16 =	vadd.f32 v23, v16;
	v20 =	vmul.f32 v19, v19;
	v1 =	vadd.f32 v18, v1  }
0x95: {  	v7 =	vadd.f32 v9, v14;
	v9 =	vld [tilespmem:$0x14210];
	v4 =	vadd.f32 v5, v4;
	v5 =	vmul.f32 v13, v13  }
0x96: {  	v2 =	vadd.f32 v6, v2;
	v6 =	vadd.f32 v20, v16  }
0x97: {  	v13 =	vadd.f32 v19, v15;
	v4 =	vadd.f32 v5, v4;
	v5 =	vmul.f32 v12, v12;
	v12 =	vld [tilespmem:$0x14220]  }
0x98: {  	v14 =	vmul.f32 v17, v17;
	v2 =	vadd.f32 v11, v2;
	v3 =	vadd.f32 v8, v3  }
0x99: {  	v1 =	vadd.f32 v17, v1;
	v8 =	vld [tilespmem:$0x14230];
	v4 =	vadd.f32 v5, v4;
	v5 =	vmul.f32 v13, v13  }
0x9a: {  	v2 =	vadd.f32 v10, v2;
	v3 =	vadd.f32 v9, v3  }
0x9b: {  	v7 =	vadd.f32 v14, v7;
	v1 =	vmul.f32 v1, v1;
	v4 =	vadd.f32 v5, v4;
	v5 =	vld [tilespmem:$0x14240]  }
0x9c: {  	v2 =	vadd.f32 v6, v2;
	v3 =	vadd.f32 v12, v3  }
0x9d: {  	v1 =	vadd.f32 v1, v4;
	v4 =	vld [tilespmem:$0x14250]  }
0x9e: {  	v2 =	vadd.f32 v7, v2;
	v3 =	vadd.f32 v8, v3;
	_ =	sdelay $0x1  }
0x9f: {  	v1 =	vsub.f32 v1, v2;
	v3 =	vadd.f32 v5, v3;
	_ =	sdelay $0x1  }
0xa0: {  	v1 =	vmul.f32 $5.000000000e-01, v1;
	v2 =	vadd.f32 v4, v3;
	_ =	sdelay $0x1  }
0xa1: {  	v1 =	vadd.f32 v2, v1;
	_ =	sdelay $0x1  }
0xa2: {  	(xrf2) =	vadd.scan.msk.f32 $0xffff, v1;
	_ =	sdelay $0x4  }
0xa3: {  	v1 =	vmov s25  }
0xa4: {  	v1 =	vand.u32 $0xFFFFFFFC, v1  }
0xa5: {  	v1 =	vbroadcast v1, $0x0;
	_ =	sdelay $0x2  }
0xa6: {  	p1 =	seq.s32 s22, $0x1F;
	v2, _, _ =	vpop (xrf2)  }
0xa7: {  	s21 =	sshll.u32 @!p1 s22, $0x9;
	v2 =	vbroadcast v2, $0xF  }
0xa8: {  	s26 =	sand.u32 @!p1 $0x3FFFFE00, s21  }
0xa9: {  	s23 =	simm.s32 @!p1 $0x64;
	s28 =	simm.s32 @!p1 $0x71F0;
	s21 =	sadd.s32 @!p1 $0x200, s26;
	[tilespmem:v1+s0+$0x0] =	vst.idx.msk $0x1, v2  }
0xaa: {  	[tilespmem:s28], [sflag:$0x1] =	stream.indirect.gather @!p1 [hbm4b:s1+s23], $0x80, s21, s23, $0xb8;
	[tilespmem:$0x143F0] =	vst v63  }
0xab: {  	s28 =	simm.s32 @!p1 $0x141F0  }
0xac: {  	[tilespmem:s28], [sflag:$0x5] =	stream.indirect.gather @!p1 [spmem:s4], $0x1, s21, s23, $0xb8;
	[tilespmem:$0x143F0] =	vst v63  }
0xad: {  	_ =	swait.ge [sflag:s16], $0x3200  }
0xae: {  	[sflag:s16] =	ssyncset.done $0x0  }
0xaf: {  	[sflag:s16] =	ssyncadd.s32 $0xFFFFCE00  }
0xb0: {  	_ =	swait.ge [sflag:s5], $0x64  }
0xb1: {  	[sflag:s5] =	ssyncset.done $0x0  }
0xb2: {  	s23 =	simm.s32 $0xA6F0;
	[sflag:s5] =	ssyncadd.s32 $0xFFFFFF9C  }
0xb3: {  	v2 =	vld [tilespmem:s23+$0xFFFFFF00]  }
0xb4: {  	v3 =	vld [tilespmem:s23+$0xFFFFFF10]  }
0xb5: {  	v4 =	vld [tilespmem:s23+$0xFFFFFF80]  }
0xb6: {  	v5 =	vld [tilespmem:s23+$0xFFFFFF90]  }
0xb7: {  	v6 =	vld [tilespmem:s23+$0x0]  }
0xb8: {  	v1 =	vimm.f32 $0.0e+00;
	v8 =	vld [tilespmem:s23+$0x10];
	v7 =	vmul.f32 v2, v2  }
0xb9: {  	v12 =	vld [tilespmem:s23+$0x90];
	v9 =	vmul.f32 v3, v3;
	v2 =	vadd.f32 v2, v1  }
0xba: {  	v10 =	vld [tilespmem:s23+$0x80];
	v11 =	vmul.f32 v4, v4;
	v3 =	vadd.f32 v3, v1;
	v7 =	vadd.f32 v7, v1  }
0xbb: {  	v13 =	vld [tilespmem:s23+$0xFFFFFF20];
	v14 =	vmul.f32 v5, v5;
	v9 =	vadd.f32 v9, v1;
	v2 =	vadd.f32 v4, v2  }
0xbc: {  	v15 =	vld [tilespmem:s23+$0xFFFFFF30];
	v3 =	vadd.f32 v5, v3;
	v4 =	vadd.f32 v11, v7;
	v7 =	vmul.f32 v6, v6  }
0xbd: {  	v5 =	vadd.f32 v14, v9;
	v9 =	vld [tilespmem:s23+$0xFFFFFFA0];
	v11 =	vmul.f32 v8, v8;
	v2 =	vadd.f32 v6, v2  }
0xbe: {  	v16 =	vmul.f32 v12, v12;
	v6 =	vld [tilespmem:s23+$0xFFFFFFB0];
	v3 =	vadd.f32 v8, v3;
	v7 =	vadd.f32 v7, v4  }
0xbf: {  	v14 =	vmul.f32 v10, v10;
	v8 =	vadd.f32 v11, v5;
	v11 =	vld [tilespmem:s23+$0x20];
	v4 =	vadd.f32 v10, v2  }
0xc0: {  	v17 =	vld [tilespmem:s23+$0x30];
	v10 =	vmul.f32 v13, v13;
	v5 =	vadd.f32 v12, v3;
	v12 =	vadd.f32 v13, v1  }
0xc1: {  	v2 =	vadd.f32 v14, v7;
	v7 =	vmul.f32 v15, v15;
	v3 =	vadd.f32 v16, v8;
	v8 =	vld [tilespmem:s23+$0xA0]  }
0xc2: {  	v10 =	vadd.f32 v10, v1;
	v15 =	vadd.f32 v15, v1;
	v16 =	vld [tilespmem:s23+$0xFFFFFF40];
	v13 =	vmul.f32 v9, v9  }
0xc3: {  	v14 =	vld [tilespmem:s23+$0xB0];
	v18 =	vmul.f32 v6, v6;
	v9 =	vadd.f32 v9, v12;
	v7 =	vadd.f32 v7, v1  }
0xc4: {  	v12 =	vld [tilespmem:s23+$0xFFFFFF50];
	v6 =	vadd.f32 v6, v15;
	v10 =	vadd.f32 v13, v10;
	v13 =	vmul.f32 v11, v11  }
0xc5: {  	v15 =	vld [tilespmem:s23+$0xFFFFFFC0];
	v9 =	vadd.f32 v11, v9;
	v7 =	vadd.f32 v18, v7;
	v18 =	vmul.f32 v17, v17  }
0xc6: {  	v11 =	vld [tilespmem:s23+$0xFFFFFFD0];
	v6 =	vadd.f32 v17, v6;
	v10 =	vadd.f32 v13, v10;
	v13 =	vmul.f32 v8, v8  }
0xc7: {  	v9 =	vadd.f32 v8, v9;
	v20 =	vmul.f32 v16, v16;
	v17 =	vadd.f32 v18, v7;
	v18 =	vld [tilespmem:s23+$0x40]  }
0xc8: {  	v22 =	vld [tilespmem:s23+$0x50];
	v19 =	vmul.f32 v14, v14;
	v8 =	vadd.f32 v14, v6;
	v14 =	vadd.f32 v16, v1  }
0xc9: {  	v7 =	vadd.f32 v13, v10;
	v10 =	vmul.f32 v12, v12;
	v13 =	vld [tilespmem:s23+$0xC0];
	v16 =	vadd.f32 v20, v1  }
0xca: {  	v12 =	vadd.f32 v12, v1;
	v6 =	vadd.f32 v19, v17;
	v17 =	vmul.f32 v15, v15;
	v19 =	vld [tilespmem:s23+$0xD0]  }
0xcb: {  	v25 =	vld [tilespmem:s23+$0xFFFFFF60];
	v21 =	vmul.f32 v11, v11;
	v14 =	vadd.f32 v15, v14;
	v10 =	vadd.f32 v10, v1  }
0xcc: {  	v20 =	vld [tilespmem:s23+$0xFFFFFF70];
	v11 =	vadd.f32 v11, v12;
	v15 =	vadd.f32 v17, v16;
	v16 =	vmul.f32 v18, v18  }
0xcd: {  	v23 =	vld [tilespmem:s23+$0xFFFFFFE0];
	v12 =	vmul.f32 v22, v22;
	v10 =	vadd.f32 v21, v10;
	v14 =	vadd.f32 v18, v14  }
0xce: {  	v21 =	vld [tilespmem:s23+$0xFFFFFFF0];
	v17 =	vadd.f32 v22, v11;
	v15 =	vadd.f32 v16, v15;
	v16 =	vmul.f32 v13, v13  }
0xcf: {  	v22 =	vld [tilespmem:s23+$0x60];
	v10 =	vadd.f32 v12, v10;
	v26 =	vmul.f32 v19, v19;
	v13 =	vadd.f32 v13, v14  }
0xd0: {  	v18 =	vld [tilespmem:s23+$0x70];
	v14 =	vmul.f32 v25, v25;
	v12 =	vadd.f32 v19, v17;
	v11 =	vadd.f32 v16, v15  }
0xd1: {  	v24 =	vmul.f32 v20, v20;
	v19 =	vld [tilespmem:s23+$0xE0];
	v10 =	vadd.f32 v26, v10;
	v15 =	vadd.f32 v25, v1  }
0xd2: {  	s28 =	sor.u32 $0x1, s25;
	s21 =	simm.s32 $0x0;
	v17 =	vld [tilespmem:s23+$0xF0];
	s23 =	simm.s32 $0xA8F0;
	v16 =	vadd.f32 v14, v1;
	v25 =	vmul.f32 v23, v23;
	v14 =	vimm.f32 $0.0e+00  }
.LBB2_5:
0xd3: {  	v26 =	vld [tilespmem:s23+$0xFFFFFF00];
	v1 =	vadd.f32 v20, v1;
	v14 =	vadd.f32 v24, v14;
	v20 =	vmul.f32 v21, v21  }
0xd4: {  	v24 =	vld [tilespmem:s23+$0xFFFFFF10];
	v15 =	vadd.f32 v23, v15;
	v16 =	vadd.f32 v25, v16;
	v23 =	vmul.f32 v22, v22  }
0xd5: {  	v25 =	vld [tilespmem:s23+$0xFFFFFF80];
	v1 =	vadd.f32 v21, v1;
	v14 =	vadd.f32 v20, v14;
	v20 =	vmul.f32 v18, v18  }
0xd6: {  	v21 =	vld [tilespmem:s23+$0xFFFFFF90];
	v15 =	vadd.f32 v22, v15;
	v16 =	vadd.f32 v23, v16;
	v22 =	vmul.f32 v19, v19  }
0xd7: {  	v23 =	vld [tilespmem:s23+$0x0];
	v1 =	vadd.f32 v18, v1;
	v14 =	vadd.f32 v20, v14;
	v18 =	vmul.f32 v17, v17  }
0xd8: {  	v20 =	vmul.f32 v26, v26;
	v27 =	vld [tilespmem:s23+$0x10];
	v15 =	vadd.f32 v19, v15;
	v16 =	vadd.f32 v22, v16  }
0xd9: {  	v19 =	vmul.f32 v24, v24;
	v22 =	vld [tilespmem:s23+$0x80];
	v1 =	vadd.f32 v17, v1;
	v14 =	vadd.f32 v18, v14  }
0xda: {  	v4 =	vadd.f32 v26, v4;
	v2 =	vadd.f32 v20, v2;
	v17 =	vmul.f32 v25, v25;
	v18 =	vld [tilespmem:s23+$0x90]  }
0xdb: {  	v5 =	vadd.f32 v24, v5;
	v3 =	vadd.f32 v19, v3;
	v19 =	vld [tilespmem:s23+$0xFFFFFF20];
	v20 =	vmul.f32 v21, v21  }
0xdc: {  	v4 =	vadd.f32 v25, v4;
	v24 =	vld [tilespmem:s23+$0xFFFFFF30];
	v2 =	vadd.f32 v17, v2;
	v17 =	vmul.f32 v23, v23  }
0xdd: {  	v5 =	vadd.f32 v21, v5;
	v3 =	vadd.f32 v20, v3;
	v20 =	vld [tilespmem:s23+$0xFFFFFFA0];
	v21 =	vmul.f32 v27, v27  }
0xde: {  	v4 =	vadd.f32 v23, v4;
	v25 =	vld [tilespmem:s23+$0xFFFFFFB0];
	v2 =	vadd.f32 v17, v2;
	v17 =	vmul.f32 v22, v22  }
0xdf: {  	v5 =	vadd.f32 v27, v5;
	v3 =	vadd.f32 v21, v3;
	v21 =	vld [tilespmem:s23+$0x20];
	v23 =	vmul.f32 v18, v18  }
0xe0: {  	v4 =	vadd.f32 v22, v4;
	v26 =	vmul.f32 v19, v19;
	v27 =	vld [tilespmem:s23+$0x30];
	v2 =	vadd.f32 v17, v2  }
0xe1: {  	v5 =	vadd.f32 v18, v5;
	v17 =	vmul.f32 v24, v24;
	v3 =	vadd.f32 v23, v3;
	v18 =	vld [tilespmem:s23+$0xA0]  }
0xe2: {  	v9 =	vadd.f32 v19, v9;
	v7 =	vadd.f32 v26, v7;
	v19 =	vmul.f32 v20, v20;
	v22 =	vld [tilespmem:s23+$0xB0]  }
0xe3: {  	v8 =	vadd.f32 v24, v8;
	v6 =	vadd.f32 v17, v6;
	v17 =	vld [tilespmem:s23+$0xFFFFFF40];
	v23 =	vmul.f32 v25, v25  }
0xe4: {  	v9 =	vadd.f32 v20, v9;
	v24 =	vld [tilespmem:s23+$0xFFFFFF50];
	v7 =	vadd.f32 v19, v7;
	v19 =	vmul.f32 v21, v21  }
0xe5: {  	v8 =	vadd.f32 v25, v8;
	v6 =	vadd.f32 v23, v6;
	v23 =	vld [tilespmem:s23+$0xFFFFFFC0];
	v20 =	vmul.f32 v27, v27  }
0xe6: {  	v9 =	vadd.f32 v21, v9;
	v25 =	vld [tilespmem:s23+$0xFFFFFFD0];
	v7 =	vadd.f32 v19, v7;
	v19 =	vmul.f32 v18, v18  }
0xe7: {  	v8 =	vadd.f32 v27, v8;
	v6 =	vadd.f32 v20, v6;
	v26 =	vld [tilespmem:s23+$0x40];
	v20 =	vmul.f32 v22, v22  }
0xe8: {  	v9 =	vadd.f32 v18, v9;
	v21 =	vmul.f32 v17, v17;
	v27 =	vld [tilespmem:s23+$0x50];
	v7 =	vadd.f32 v19, v7  }
0xe9: {  	v8 =	vadd.f32 v22, v8;
	v18 =	vmul.f32 v24, v24;
	v6 =	vadd.f32 v20, v6;
	v19 =	vld [tilespmem:s23+$0xC0]  }
0xea: {  	v13 =	vadd.f32 v17, v13;
	v11 =	vadd.f32 v21, v11;
	v17 =	vmul.f32 v23, v23;
	v28 =	vld [tilespmem:s23+$0xD0]  }
0xeb: {  	v12 =	vadd.f32 v24, v12;
	v10 =	vadd.f32 v18, v10;
	v29 =	vld [tilespmem:s23+$0xFFFFFF60];
	v18 =	vmul.f32 v25, v25  }
0xec: {  	s21 =	sadd.s32 $0x4, s21;
	v13 =	vadd.f32 v23, v13;
	v20 =	vld [tilespmem:s23+$0xFFFFFF70];
	v11 =	vadd.f32 v17, v11;
	v17 =	vmul.f32 v26, v26  }
0xed: {  	p2 =	slt.u32 s21, $0x60;
	v12 =	vadd.f32 v25, v12;
	v10 =	vadd.f32 v18, v10;
	v23 =	vld [tilespmem:s23+$0xFFFFFFE0];
	v18 =	vmul.f32 v27, v27  }
.Ltmp1:
0xee: {  	v13 =	vadd.f32 v26, v13;
	v21 =	vld [tilespmem:s23+$0xFFFFFFF0];
	v11 =	vadd.f32 v17, v11;
	v17 =	vmul.f32 v19, v19;
	(pc) =	sbr.rel @p2 .LBB2_5-.Ltmp1, $4  }
0xef: {  	v12 =	vadd.f32 v27, v12;
	v10 =	vadd.f32 v18, v10;
	v22 =	vld [tilespmem:s23+$0x60];
	v25 =	vmul.f32 v28, v28  }
0xf0: {  	v13 =	vadd.f32 v19, v13;
	v26 =	vmul.f32 v29, v29;
	v18 =	vld [tilespmem:s23+$0x70];
	v11 =	vadd.f32 v17, v11  }
0xf1: {  	v12 =	vadd.f32 v28, v12;
	v24 =	vmul.f32 v20, v20;
	v10 =	vadd.f32 v25, v10;
	v19 =	vld [tilespmem:s23+$0xE0]  }
0xf2: {  	v15 =	vadd.f32 v29, v15;
	v16 =	vadd.f32 v26, v16;
	v25 =	vmul.f32 v23, v23;
	v17 =	vld [tilespmem:s23+$0xF0];
	s23 =	sadd.s32 $0x200, s23  }
0xf3: {  	v1 =	vadd.f32 v20, v1;
	v14 =	vadd.f32 v24, v14;
	v20 =	vmul.f32 v21, v21  }
0xf4: {  	v4 =	vmul.f32 v4, v4;
	v5 =	vmul.f32 v5, v5;
	v2 =	vadd.f32 v3, v2  }
0xf5: {  	v15 =	vadd.f32 v23, v15;
	v16 =	vadd.f32 v25, v16;
	v23 =	vmul.f32 v22, v22  }
0xf6: {  	v1 =	vadd.f32 v21, v1;
	v4 =	vadd.f32 v5, v4;
	v5 =	vmul.f32 v9, v9  }
0xf7: {  	v3 =	vld [tilespmem:$0x14270];
	v14 =	vadd.f32 v20, v14;
	v9 =	vmul.f32 v18, v18;
	v2 =	vadd.f32 v7, v2  }
0xf8: {  	v15 =	vadd.f32 v22, v15;
	v4 =	vadd.f32 v5, v4;
	v5 =	vmul.f32 v8, v8;
	v8 =	vld [tilespmem:$0x14280]  }
0xf9: {  	v16 =	vadd.f32 v23, v16;
	v20 =	vmul.f32 v19, v19;
	v1 =	vadd.f32 v18, v1  }
0xfa: {  	v7 =	vadd.f32 v9, v14;
	v9 =	vld [tilespmem:$0x14290];
	v4 =	vadd.f32 v5, v4;
	v5 =	vmul.f32 v13, v13  }
0xfb: {  	v2 =	vadd.f32 v6, v2;
	v6 =	vadd.f32 v20, v16  }
0xfc: {  	v13 =	vadd.f32 v19, v15;
	v4 =	vadd.f32 v5, v4;
	v5 =	vmul.f32 v12, v12;
	v12 =	vld [tilespmem:$0x142A0]  }
0xfd: {  	v14 =	vmul.f32 v17, v17;
	v2 =	vadd.f32 v11, v2;
	v3 =	vadd.f32 v8, v3  }
0xfe: {  	v1 =	vadd.f32 v17, v1;
	v8 =	vld [tilespmem:$0x142B0];
	v4 =	vadd.f32 v5, v4;
	v5 =	vmul.f32 v13, v13  }
0xff: {  	v2 =	vadd.f32 v10, v2;
	v3 =	vadd.f32 v9, v3  }
0x100: {  	v7 =	vadd.f32 v14, v7;
	v1 =	vmul.f32 v1, v1;
	v4 =	vadd.f32 v5, v4;
	v5 =	vld [tilespmem:$0x142C0]  }
0x101: {  	v2 =	vadd.f32 v6, v2;
	v3 =	vadd.f32 v12, v3  }
0x102: {  	v1 =	vadd.f32 v1, v4;
	v4 =	vld [tilespmem:$0x142D0]  }
0x103: {  	v2 =	vadd.f32 v7, v2;
	v3 =	vadd.f32 v8, v3;
	_ =	sdelay $0x1  }
0x104: {  	v1 =	vsub.f32 v1, v2;
	v3 =	vadd.f32 v5, v3;
	_ =	sdelay $0x1  }
0x105: {  	v1 =	vmul.f32 $5.000000000e-01, v1;
	v2 =	vadd.f32 v4, v3;
	_ =	sdelay $0x1  }
0x106: {  	v1 =	vadd.f32 v2, v1;
	_ =	sdelay $0x1  }
0x107: {  	(xrf2) =	vadd.scan.msk.f32 $0xffff, v1;
	_ =	sdelay $0x4  }
0x108: {  	v1 =	vmov s28  }
0x109: {  	v1 =	vand.u32 $0xFFFFFFFD, v1  }
0x10a: {  	v1 =	vbroadcast v1, $0x0;
	_ =	sdelay $0x2  }
0x10b: {  	v2, _, _ =	vpop (xrf2)  }
0x10c: {  	v2 =	vbroadcast v2, $0xF;
	_ =	sdelay $0x1  }
0x10d: {  	s21 =	sadd.s32 @!p1 $0x280, s26;
	s23 =	simm.s32 @!p1 $0x64;
	s28 =	simm.s32 @!p1 $0xA5F0;
	[tilespmem:v1+s0+$0x0] =	vst.idx.msk $0x1, v2  }
0x10e: {  	[tilespmem:s28], [sflag:$0x2] =	stream.indirect.gather @!p1 [hbm4b:s1+s23], $0x80, s21, s23, $0xb8;
	[tilespmem:$0x143F0] =	vst v63  }
0x10f: {  	s28 =	simm.s32 @!p1 $0x14270  }
0x110: {  	[tilespmem:s28], [sflag:$0x6] =	stream.indirect.gather @!p1 [spmem:s4], $0x1, s21, s23, $0xb8;
	[tilespmem:$0x143F0] =	vst v63  }
0x111: {  	_ =	swait.ge [sflag:s17], $0x3200  }
0x112: {  	[sflag:s17] =	ssyncset.done $0x0  }
0x113: {  	[sflag:s17] =	ssyncadd.s32 $0xFFFFCE00  }
0x114: {  	_ =	swait.ge [sflag:s2], $0x64  }
0x115: {  	[sflag:s2] =	ssyncset.done $0x0  }
0x116: {  	s28 =	simm.s32 $0xDAF0;
	[sflag:s2] =	ssyncadd.s32 $0xFFFFFF9C  }
0x117: {  	v2 =	vld [tilespmem:s28+$0xFFFFFF00]  }
0x118: {  	v3 =	vld [tilespmem:s28+$0xFFFFFF10]  }
0x119: {  	v4 =	vld [tilespmem:s28+$0xFFFFFF80]  }
0x11a: {  	v5 =	vld [tilespmem:s28+$0xFFFFFF90]  }
0x11b: {  	v6 =	vld [tilespmem:s28+$0x0]  }
0x11c: {  	v1 =	vimm.f32 $0.0e+00;
	v8 =	vld [tilespmem:s28+$0x10];
	v7 =	vmul.f32 v2, v2  }
0x11d: {  	v12 =	vld [tilespmem:s28+$0x90];
	v9 =	vmul.f32 v3, v3;
	v2 =	vadd.f32 v2, v1  }
0x11e: {  	v10 =	vld [tilespmem:s28+$0x80];
	v11 =	vmul.f32 v4, v4;
	v3 =	vadd.f32 v3, v1;
	v7 =	vadd.f32 v7, v1  }
0x11f: {  	v13 =	vld [tilespmem:s28+$0xFFFFFF20];
	v14 =	vmul.f32 v5, v5;
	v9 =	vadd.f32 v9, v1;
	v2 =	vadd.f32 v4, v2  }
0x120: {  	v15 =	vld [tilespmem:s28+$0xFFFFFF30];
	v3 =	vadd.f32 v5, v3;
	v4 =	vadd.f32 v11, v7;
	v7 =	vmul.f32 v6, v6  }
0x121: {  	v5 =	vadd.f32 v14, v9;
	v9 =	vld [tilespmem:s28+$0xFFFFFFA0];
	v11 =	vmul.f32 v8, v8;
	v2 =	vadd.f32 v6, v2  }
0x122: {  	v16 =	vmul.f32 v12, v12;
	v6 =	vld [tilespmem:s28+$0xFFFFFFB0];
	v3 =	vadd.f32 v8, v3;
	v7 =	vadd.f32 v7, v4  }
0x123: {  	v14 =	vmul.f32 v10, v10;
	v8 =	vadd.f32 v11, v5;
	v11 =	vld [tilespmem:s28+$0x20];
	v4 =	vadd.f32 v10, v2  }
0x124: {  	v17 =	vld [tilespmem:s28+$0x30];
	v10 =	vmul.f32 v13, v13;
	v5 =	vadd.f32 v12, v3;
	v12 =	vadd.f32 v13, v1  }
0x125: {  	v2 =	vadd.f32 v14, v7;
	v7 =	vmul.f32 v15, v15;
	v3 =	vadd.f32 v16, v8;
	v8 =	vld [tilespmem:s28+$0xA0]  }
0x126: {  	v10 =	vadd.f32 v10, v1;
	v15 =	vadd.f32 v15, v1;
	v16 =	vld [tilespmem:s28+$0xFFFFFF40];
	v13 =	vmul.f32 v9, v9  }
0x127: {  	v14 =	vld [tilespmem:s28+$0xB0];
	v18 =	vmul.f32 v6, v6;
	v9 =	vadd.f32 v9, v12;
	v7 =	vadd.f32 v7, v1  }
0x128: {  	v12 =	vld [tilespmem:s28+$0xFFFFFF50];
	v6 =	vadd.f32 v6, v15;
	v10 =	vadd.f32 v13, v10;
	v13 =	vmul.f32 v11, v11  }
0x129: {  	v15 =	vld [tilespmem:s28+$0xFFFFFFC0];
	v9 =	vadd.f32 v11, v9;
	v7 =	vadd.f32 v18, v7;
	v18 =	vmul.f32 v17, v17  }
0x12a: {  	v11 =	vld [tilespmem:s28+$0xFFFFFFD0];
	v6 =	vadd.f32 v17, v6;
	v10 =	vadd.f32 v13, v10;
	v13 =	vmul.f32 v8, v8  }
0x12b: {  	v9 =	vadd.f32 v8, v9;
	v20 =	vmul.f32 v16, v16;
	v17 =	vadd.f32 v18, v7;
	v18 =	vld [tilespmem:s28+$0x40]  }
0x12c: {  	v22 =	vld [tilespmem:s28+$0x50];
	v19 =	vmul.f32 v14, v14;
	v8 =	vadd.f32 v14, v6;
	v14 =	vadd.f32 v16, v1  }
0x12d: {  	v7 =	vadd.f32 v13, v10;
	v10 =	vmul.f32 v12, v12;
	v13 =	vld [tilespmem:s28+$0xC0];
	v16 =	vadd.f32 v20, v1  }
0x12e: {  	v12 =	vadd.f32 v12, v1;
	v6 =	vadd.f32 v19, v17;
	v17 =	vmul.f32 v15, v15;
	v19 =	vld [tilespmem:s28+$0xD0]  }
0x12f: {  	v25 =	vld [tilespmem:s28+$0xFFFFFF60];
	v21 =	vmul.f32 v11, v11;
	v14 =	vadd.f32 v15, v14;
	v10 =	vadd.f32 v10, v1  }
0x130: {  	v20 =	vld [tilespmem:s28+$0xFFFFFF70];
	v11 =	vadd.f32 v11, v12;
	v15 =	vadd.f32 v17, v16;
	v16 =	vmul.f32 v18, v18  }
0x131: {  	v23 =	vld [tilespmem:s28+$0xFFFFFFE0];
	v12 =	vmul.f32 v22, v22;
	v10 =	vadd.f32 v21, v10;
	v14 =	vadd.f32 v18, v14  }
0x132: {  	v21 =	vld [tilespmem:s28+$0xFFFFFFF0];
	v17 =	vadd.f32 v22, v11;
	v15 =	vadd.f32 v16, v15;
	v16 =	vmul.f32 v13, v13  }
0x133: {  	v22 =	vld [tilespmem:s28+$0x60];
	v10 =	vadd.f32 v12, v10;
	v26 =	vmul.f32 v19, v19;
	v13 =	vadd.f32 v13, v14  }
0x134: {  	v18 =	vld [tilespmem:s28+$0x70];
	v14 =	vmul.f32 v25, v25;
	v12 =	vadd.f32 v19, v17;
	v11 =	vadd.f32 v16, v15  }
0x135: {  	v24 =	vmul.f32 v20, v20;
	v19 =	vld [tilespmem:s28+$0xE0];
	v10 =	vadd.f32 v26, v10;
	v15 =	vadd.f32 v25, v1  }
0x136: {  	s25 =	sor.u32 $0x2, s25;
	s21 =	simm.s32 $0x0;
	s23 =	simm.s32 $0xDCF0;
	v17 =	vld [tilespmem:s28+$0xF0];
	v16 =	vadd.f32 v14, v1;
	v25 =	vmul.f32 v23, v23;
	v14 =	vimm.f32 $0.0e+00  }
.LBB2_7:
0x137: {  	v26 =	vld [tilespmem:s23+$0xFFFFFF00];
	v1 =	vadd.f32 v20, v1;
	v14 =	vadd.f32 v24, v14;
	v20 =	vmul.f32 v21, v21  }
0x138: {  	v24 =	vld [tilespmem:s23+$0xFFFFFF10];
	v15 =	vadd.f32 v23, v15;
	v16 =	vadd.f32 v25, v16;
	v23 =	vmul.f32 v22, v22  }
0x139: {  	v25 =	vld [tilespmem:s23+$0xFFFFFF80];
	v1 =	vadd.f32 v21, v1;
	v14 =	vadd.f32 v20, v14;
	v20 =	vmul.f32 v18, v18  }
0x13a: {  	v21 =	vld [tilespmem:s23+$0xFFFFFF90];
	v15 =	vadd.f32 v22, v15;
	v16 =	vadd.f32 v23, v16;
	v22 =	vmul.f32 v19, v19  }
0x13b: {  	v23 =	vld [tilespmem:s23+$0x0];
	v1 =	vadd.f32 v18, v1;
	v14 =	vadd.f32 v20, v14;
	v18 =	vmul.f32 v17, v17  }
0x13c: {  	v20 =	vmul.f32 v26, v26;
	v27 =	vld [tilespmem:s23+$0x10];
	v15 =	vadd.f32 v19, v15;
	v16 =	vadd.f32 v22, v16  }
0x13d: {  	v19 =	vmul.f32 v24, v24;
	v22 =	vld [tilespmem:s23+$0x80];
	v1 =	vadd.f32 v17, v1;
	v14 =	vadd.f32 v18, v14  }
0x13e: {  	v4 =	vadd.f32 v26, v4;
	v2 =	vadd.f32 v20, v2;
	v17 =	vmul.f32 v25, v25;
	v18 =	vld [tilespmem:s23+$0x90]  }
0x13f: {  	v5 =	vadd.f32 v24, v5;
	v3 =	vadd.f32 v19, v3;
	v19 =	vld [tilespmem:s23+$0xFFFFFF20];
	v20 =	vmul.f32 v21, v21  }
0x140: {  	v4 =	vadd.f32 v25, v4;
	v24 =	vld [tilespmem:s23+$0xFFFFFF30];
	v2 =	vadd.f32 v17, v2;
	v17 =	vmul.f32 v23, v23  }
0x141: {  	v5 =	vadd.f32 v21, v5;
	v3 =	vadd.f32 v20, v3;
	v20 =	vld [tilespmem:s23+$0xFFFFFFA0];
	v21 =	vmul.f32 v27, v27  }
0x142: {  	v4 =	vadd.f32 v23, v4;
	v25 =	vld [tilespmem:s23+$0xFFFFFFB0];
	v2 =	vadd.f32 v17, v2;
	v17 =	vmul.f32 v22, v22  }
0x143: {  	v5 =	vadd.f32 v27, v5;
	v3 =	vadd.f32 v21, v3;
	v21 =	vld [tilespmem:s23+$0x20];
	v23 =	vmul.f32 v18, v18  }
0x144: {  	v4 =	vadd.f32 v22, v4;
	v26 =	vmul.f32 v19, v19;
	v27 =	vld [tilespmem:s23+$0x30];
	v2 =	vadd.f32 v17, v2  }
0x145: {  	v5 =	vadd.f32 v18, v5;
	v17 =	vmul.f32 v24, v24;
	v3 =	vadd.f32 v23, v3;
	v18 =	vld [tilespmem:s23+$0xA0]  }
0x146: {  	v9 =	vadd.f32 v19, v9;
	v7 =	vadd.f32 v26, v7;
	v19 =	vmul.f32 v20, v20;
	v22 =	vld [tilespmem:s23+$0xB0]  }
0x147: {  	v8 =	vadd.f32 v24, v8;
	v6 =	vadd.f32 v17, v6;
	v17 =	vld [tilespmem:s23+$0xFFFFFF40];
	v23 =	vmul.f32 v25, v25  }
0x148: {  	v9 =	vadd.f32 v20, v9;
	v24 =	vld [tilespmem:s23+$0xFFFFFF50];
	v7 =	vadd.f32 v19, v7;
	v19 =	vmul.f32 v21, v21  }
0x149: {  	v8 =	vadd.f32 v25, v8;
	v6 =	vadd.f32 v23, v6;
	v23 =	vld [tilespmem:s23+$0xFFFFFFC0];
	v20 =	vmul.f32 v27, v27  }
0x14a: {  	v9 =	vadd.f32 v21, v9;
	v25 =	vld [tilespmem:s23+$0xFFFFFFD0];
	v7 =	vadd.f32 v19, v7;
	v19 =	vmul.f32 v18, v18  }
0x14b: {  	v8 =	vadd.f32 v27, v8;
	v6 =	vadd.f32 v20, v6;
	v26 =	vld [tilespmem:s23+$0x40];
	v20 =	vmul.f32 v22, v22  }
0x14c: {  	v9 =	vadd.f32 v18, v9;
	v21 =	vmul.f32 v17, v17;
	v27 =	vld [tilespmem:s23+$0x50];
	v7 =	vadd.f32 v19, v7  }
0x14d: {  	v8 =	vadd.f32 v22, v8;
	v18 =	vmul.f32 v24, v24;
	v6 =	vadd.f32 v20, v6;
	v19 =	vld [tilespmem:s23+$0xC0]  }
0x14e: {  	v13 =	vadd.f32 v17, v13;
	v11 =	vadd.f32 v21, v11;
	v17 =	vmul.f32 v23, v23;
	v28 =	vld [tilespmem:s23+$0xD0]  }
0x14f: {  	v12 =	vadd.f32 v24, v12;
	v10 =	vadd.f32 v18, v10;
	v29 =	vld [tilespmem:s23+$0xFFFFFF60];
	v18 =	vmul.f32 v25, v25  }
0x150: {  	s21 =	sadd.s32 $0x4, s21;
	v13 =	vadd.f32 v23, v13;
	v20 =	vld [tilespmem:s23+$0xFFFFFF70];
	v11 =	vadd.f32 v17, v11;
	v17 =	vmul.f32 v26, v26  }
0x151: {  	p2 =	slt.u32 s21, $0x60;
	v12 =	vadd.f32 v25, v12;
	v10 =	vadd.f32 v18, v10;
	v23 =	vld [tilespmem:s23+$0xFFFFFFE0];
	v18 =	vmul.f32 v27, v27  }
.Ltmp2:
0x152: {  	v13 =	vadd.f32 v26, v13;
	v21 =	vld [tilespmem:s23+$0xFFFFFFF0];
	v11 =	vadd.f32 v17, v11;
	v17 =	vmul.f32 v19, v19;
	(pc) =	sbr.rel @p2 .LBB2_7-.Ltmp2, $4  }
0x153: {  	v12 =	vadd.f32 v27, v12;
	v10 =	vadd.f32 v18, v10;
	v22 =	vld [tilespmem:s23+$0x60];
	v25 =	vmul.f32 v28, v28  }
0x154: {  	v13 =	vadd.f32 v19, v13;
	v26 =	vmul.f32 v29, v29;
	v18 =	vld [tilespmem:s23+$0x70];
	v11 =	vadd.f32 v17, v11  }
0x155: {  	v12 =	vadd.f32 v28, v12;
	v24 =	vmul.f32 v20, v20;
	v10 =	vadd.f32 v25, v10;
	v19 =	vld [tilespmem:s23+$0xE0]  }
0x156: {  	v15 =	vadd.f32 v29, v15;
	v16 =	vadd.f32 v26, v16;
	v25 =	vmul.f32 v23, v23;
	v17 =	vld [tilespmem:s23+$0xF0];
	s23 =	sadd.s32 $0x200, s23  }
0x157: {  	v1 =	vadd.f32 v20, v1;
	v14 =	vadd.f32 v24, v14;
	v20 =	vmul.f32 v21, v21  }
0x158: {  	v4 =	vmul.f32 v4, v4;
	v5 =	vmul.f32 v5, v5;
	v2 =	vadd.f32 v3, v2  }
0x159: {  	v15 =	vadd.f32 v23, v15;
	v16 =	vadd.f32 v25, v16;
	v23 =	vmul.f32 v22, v22  }
0x15a: {  	v1 =	vadd.f32 v21, v1;
	v4 =	vadd.f32 v5, v4;
	v5 =	vmul.f32 v9, v9  }
0x15b: {  	v3 =	vld [tilespmem:$0x142F0];
	v14 =	vadd.f32 v20, v14;
	v9 =	vmul.f32 v18, v18;
	v2 =	vadd.f32 v7, v2  }
0x15c: {  	v15 =	vadd.f32 v22, v15;
	v4 =	vadd.f32 v5, v4;
	v5 =	vmul.f32 v8, v8;
	v8 =	vld [tilespmem:$0x14300]  }
0x15d: {  	v16 =	vadd.f32 v23, v16;
	v20 =	vmul.f32 v19, v19;
	v1 =	vadd.f32 v18, v1  }
0x15e: {  	v7 =	vadd.f32 v9, v14;
	v9 =	vld [tilespmem:$0x14310];
	v4 =	vadd.f32 v5, v4;
	v5 =	vmul.f32 v13, v13  }
0x15f: {  	v2 =	vadd.f32 v6, v2;
	v6 =	vadd.f32 v20, v16  }
0x160: {  	v13 =	vadd.f32 v19, v15;
	v4 =	vadd.f32 v5, v4;
	v5 =	vmul.f32 v12, v12;
	v12 =	vld [tilespmem:$0x14320]  }
0x161: {  	v14 =	vmul.f32 v17, v17;
	v2 =	vadd.f32 v11, v2;
	v3 =	vadd.f32 v8, v3  }
0x162: {  	v1 =	vadd.f32 v17, v1;
	v8 =	vld [tilespmem:$0x14330];
	v4 =	vadd.f32 v5, v4;
	v5 =	vmul.f32 v13, v13  }
0x163: {  	v2 =	vadd.f32 v10, v2;
	v3 =	vadd.f32 v9, v3  }
0x164: {  	v7 =	vadd.f32 v14, v7;
	v1 =	vmul.f32 v1, v1;
	v4 =	vadd.f32 v5, v4;
	v5 =	vld [tilespmem:$0x14340]  }
0x165: {  	v2 =	vadd.f32 v6, v2;
	v3 =	vadd.f32 v12, v3  }
0x166: {  	v1 =	vadd.f32 v1, v4;
	v4 =	vld [tilespmem:$0x14350]  }
0x167: {  	v2 =	vadd.f32 v7, v2;
	v3 =	vadd.f32 v8, v3;
	_ =	sdelay $0x1  }
0x168: {  	v1 =	vsub.f32 v1, v2;
	v3 =	vadd.f32 v5, v3;
	_ =	sdelay $0x1  }
0x169: {  	v1 =	vmul.f32 $5.000000000e-01, v1;
	v2 =	vadd.f32 v4, v3;
	_ =	sdelay $0x1  }
0x16a: {  	v1 =	vadd.f32 v2, v1;
	_ =	sdelay $0x1  }
0x16b: {  	(xrf2) =	vadd.scan.msk.f32 $0xffff, v1;
	_ =	sdelay $0x4  }
0x16c: {  	v1 =	vmov s25  }
0x16d: {  	v1 =	vand.u32 $0xFFFFFFFE, v1  }
0x16e: {  	v1 =	vbroadcast v1, $0x0;
	_ =	sdelay $0x2  }
0x16f: {  	v2, _, _ =	vpop (xrf2)  }
0x170: {  	v2 =	vbroadcast v2, $0xF;
	_ =	sdelay $0x1  }
0x171: {  	s21 =	sadd.s32 @!p1 $0x300, s26;
	s23 =	simm.s32 @!p1 $0x64;
	s25 =	simm.s32 @!p1 $0xD9F0;
	[tilespmem:v1+s0+$0x0] =	vst.idx.msk $0x1, v2  }
0x172: {  	[tilespmem:s25], [sflag:$0x3] =	stream.indirect.gather @!p1 [hbm4b:s1+s23], $0x80, s21, s23, $0xb8;
	[tilespmem:$0x143F0] =	vst v63  }
0x173: {  	s25 =	simm.s32 @!p1 $0x142F0  }
0x174: {  	[tilespmem:s25], [sflag:$0x7] =	stream.indirect.gather @!p1 [spmem:s4], $0x1, s21, s23, $0xb8;
	[tilespmem:$0x143F0] =	vst v63  }
0x175: {  	_ =	swait.ge [sflag:s3], $0x3200  }
0x176: {  	[sflag:s3] =	ssyncset.done $0x0  }
0x177: {  	[sflag:s3] =	ssyncadd.s32 $0xFFFFCE00  }
0x178: {  	_ =	swait.ge [sflag:s14], $0x64  }
0x179: {  	[sflag:s14] =	ssyncset.done $0x0  }
0x17a: {  	s28 =	simm.s32 $0x10EF0;
	[sflag:s14] =	ssyncadd.s32 $0xFFFFFF9C  }
0x17b: {  	v2 =	vld [tilespmem:s28+$0xFFFFFF00]  }
0x17c: {  	v3 =	vld [tilespmem:s28+$0xFFFFFF10]  }
0x17d: {  	v4 =	vld [tilespmem:s28+$0xFFFFFF80]  }
0x17e: {  	v5 =	vld [tilespmem:s28+$0xFFFFFF90]  }
0x17f: {  	v6 =	vld [tilespmem:s28+$0x0]  }
0x180: {  	v1 =	vimm.f32 $0.0e+00;
	v8 =	vld [tilespmem:s28+$0x10];
	v7 =	vmul.f32 v2, v2  }
0x181: {  	v12 =	vld [tilespmem:s28+$0x90];
	v9 =	vmul.f32 v3, v3;
	v2 =	vadd.f32 v2, v1  }
0x182: {  	v10 =	vld [tilespmem:s28+$0x80];
	v11 =	vmul.f32 v4, v4;
	v3 =	vadd.f32 v3, v1;
	v7 =	vadd.f32 v7, v1  }
0x183: {  	v13 =	vld [tilespmem:s28+$0xFFFFFF20];
	v14 =	vmul.f32 v5, v5;
	v9 =	vadd.f32 v9, v1;
	v2 =	vadd.f32 v4, v2  }
0x184: {  	v15 =	vld [tilespmem:s28+$0xFFFFFF30];
	v3 =	vadd.f32 v5, v3;
	v4 =	vadd.f32 v11, v7;
	v7 =	vmul.f32 v6, v6  }
0x185: {  	v5 =	vadd.f32 v14, v9;
	v9 =	vld [tilespmem:s28+$0xFFFFFFA0];
	v11 =	vmul.f32 v8, v8;
	v2 =	vadd.f32 v6, v2  }
0x186: {  	v16 =	vmul.f32 v12, v12;
	v6 =	vld [tilespmem:s28+$0xFFFFFFB0];
	v3 =	vadd.f32 v8, v3;
	v7 =	vadd.f32 v7, v4  }
0x187: {  	v14 =	vmul.f32 v10, v10;
	v8 =	vadd.f32 v11, v5;
	v11 =	vld [tilespmem:s28+$0x20];
	v4 =	vadd.f32 v10, v2  }
0x188: {  	v17 =	vld [tilespmem:s28+$0x30];
	v10 =	vmul.f32 v13, v13;
	v5 =	vadd.f32 v12, v3;
	v12 =	vadd.f32 v13, v1  }
0x189: {  	v2 =	vadd.f32 v14, v7;
	v7 =	vmul.f32 v15, v15;
	v3 =	vadd.f32 v16, v8;
	v8 =	vld [tilespmem:s28+$0xA0]  }
0x18a: {  	v10 =	vadd.f32 v10, v1;
	v15 =	vadd.f32 v15, v1;
	v16 =	vld [tilespmem:s28+$0xFFFFFF40];
	v13 =	vmul.f32 v9, v9  }
0x18b: {  	v14 =	vld [tilespmem:s28+$0xB0];
	v18 =	vmul.f32 v6, v6;
	v9 =	vadd.f32 v9, v12;
	v7 =	vadd.f32 v7, v1  }
0x18c: {  	v12 =	vld [tilespmem:s28+$0xFFFFFF50];
	v6 =	vadd.f32 v6, v15;
	v10 =	vadd.f32 v13, v10;
	v13 =	vmul.f32 v11, v11  }
0x18d: {  	v15 =	vld [tilespmem:s28+$0xFFFFFFC0];
	v9 =	vadd.f32 v11, v9;
	v7 =	vadd.f32 v18, v7;
	v18 =	vmul.f32 v17, v17  }
0x18e: {  	v11 =	vld [tilespmem:s28+$0xFFFFFFD0];
	v6 =	vadd.f32 v17, v6;
	v10 =	vadd.f32 v13, v10;
	v13 =	vmul.f32 v8, v8  }
0x18f: {  	v9 =	vadd.f32 v8, v9;
	v20 =	vmul.f32 v16, v16;
	v17 =	vadd.f32 v18, v7;
	v18 =	vld [tilespmem:s28+$0x40]  }
0x190: {  	v22 =	vld [tilespmem:s28+$0x50];
	v19 =	vmul.f32 v14, v14;
	v8 =	vadd.f32 v14, v6;
	v14 =	vadd.f32 v16, v1  }
0x191: {  	v7 =	vadd.f32 v13, v10;
	v10 =	vmul.f32 v12, v12;
	v13 =	vld [tilespmem:s28+$0xC0];
	v16 =	vadd.f32 v20, v1  }
0x192: {  	v12 =	vadd.f32 v12, v1;
	v6 =	vadd.f32 v19, v17;
	v17 =	vmul.f32 v15, v15;
	v19 =	vld [tilespmem:s28+$0xD0]  }
0x193: {  	v25 =	vld [tilespmem:s28+$0xFFFFFF60];
	v21 =	vmul.f32 v11, v11;
	v14 =	vadd.f32 v15, v14;
	v10 =	vadd.f32 v10, v1  }
0x194: {  	v20 =	vld [tilespmem:s28+$0xFFFFFF70];
	v11 =	vadd.f32 v11, v12;
	v15 =	vadd.f32 v17, v16;
	v16 =	vmul.f32 v18, v18  }
0x195: {  	v23 =	vld [tilespmem:s28+$0xFFFFFFE0];
	v12 =	vmul.f32 v22, v22;
	v10 =	vadd.f32 v21, v10;
	v14 =	vadd.f32 v18, v14  }
0x196: {  	v21 =	vld [tilespmem:s28+$0xFFFFFFF0];
	v17 =	vadd.f32 v22, v11;
	v15 =	vadd.f32 v16, v15;
	v16 =	vmul.f32 v13, v13  }
0x197: {  	v22 =	vld [tilespmem:s28+$0x60];
	v10 =	vadd.f32 v12, v10;
	v26 =	vmul.f32 v19, v19;
	v13 =	vadd.f32 v13, v14  }
0x198: {  	v18 =	vld [tilespmem:s28+$0x70];
	v14 =	vmul.f32 v25, v25;
	v12 =	vadd.f32 v19, v17;
	v25 =	vadd.f32 v25, v1  }
0x199: {  	v24 =	vmul.f32 v20, v20;
	v19 =	vld [tilespmem:s28+$0xE0];
	v11 =	vadd.f32 v16, v15;
	v10 =	vadd.f32 v26, v10  }
0x19a: {  	s21 =	simm.s32 $0x0;
	s23 =	simm.s32 $0x110F0;
	v17 =	vld [tilespmem:s28+$0xF0];
	v15 =	vadd.f32 v14, v1;
	v16 =	vmul.f32 v23, v23;
	v14 =	vimm.f32 $0.0e+00  }
.LBB2_9:
0x19b: {  	v26 =	vld [tilespmem:s23+$0xFFFFFF00];
	v1 =	vadd.f32 v20, v1;
	v14 =	vadd.f32 v24, v14;
	v20 =	vmul.f32 v21, v21  }
0x19c: {  	v24 =	vld [tilespmem:s23+$0xFFFFFF10];
	v23 =	vadd.f32 v23, v25;
	v15 =	vadd.f32 v16, v15;
	v16 =	vmul.f32 v22, v22  }
0x19d: {  	v25 =	vld [tilespmem:s23+$0xFFFFFF80];
	v1 =	vadd.f32 v21, v1;
	v14 =	vadd.f32 v20, v14;
	v20 =	vmul.f32 v18, v18  }
0x19e: {  	v21 =	vld [tilespmem:s23+$0xFFFFFF90];
	v22 =	vadd.f32 v22, v23;
	v16 =	vadd.f32 v16, v15;
	v23 =	vmul.f32 v19, v19  }
0x19f: {  	v27 =	vld [tilespmem:s23+$0x0];
	v1 =	vadd.f32 v18, v1;
	v14 =	vadd.f32 v20, v14;
	v18 =	vmul.f32 v17, v17  }
0x1a0: {  	v20 =	vmul.f32 v26, v26;
	v28 =	vld [tilespmem:s23+$0x10];
	v15 =	vadd.f32 v19, v22;
	v16 =	vadd.f32 v23, v16  }
0x1a1: {  	v19 =	vmul.f32 v24, v24;
	v22 =	vld [tilespmem:s23+$0x80];
	v1 =	vadd.f32 v17, v1;
	v14 =	vadd.f32 v18, v14  }
0x1a2: {  	v4 =	vadd.f32 v26, v4;
	v2 =	vadd.f32 v20, v2;
	v17 =	vmul.f32 v25, v25;
	v18 =	vld [tilespmem:s23+$0x90]  }
0x1a3: {  	v5 =	vadd.f32 v24, v5;
	v3 =	vadd.f32 v19, v3;
	v19 =	vld [tilespmem:s23+$0xFFFFFF20];
	v20 =	vmul.f32 v21, v21  }
0x1a4: {  	v4 =	vadd.f32 v25, v4;
	v23 =	vld [tilespmem:s23+$0xFFFFFF30];
	v2 =	vadd.f32 v17, v2;
	v17 =	vmul.f32 v27, v27  }
0x1a5: {  	v5 =	vadd.f32 v21, v5;
	v3 =	vadd.f32 v20, v3;
	v20 =	vld [tilespmem:s23+$0xFFFFFFA0];
	v21 =	vmul.f32 v28, v28  }
0x1a6: {  	v4 =	vadd.f32 v27, v4;
	v24 =	vld [tilespmem:s23+$0xFFFFFFB0];
	v2 =	vadd.f32 v17, v2;
	v17 =	vmul.f32 v22, v22  }
0x1a7: {  	v5 =	vadd.f32 v28, v5;
	v3 =	vadd.f32 v21, v3;
	v21 =	vld [tilespmem:s23+$0x20];
	v25 =	vmul.f32 v18, v18  }
0x1a8: {  	v4 =	vadd.f32 v22, v4;
	v26 =	vmul.f32 v19, v19;
	v27 =	vld [tilespmem:s23+$0x30];
	v2 =	vadd.f32 v17, v2  }
0x1a9: {  	v5 =	vadd.f32 v18, v5;
	v17 =	vmul.f32 v23, v23;
	v3 =	vadd.f32 v25, v3;
	v18 =	vld [tilespmem:s23+$0xA0]  }
0x1aa: {  	v9 =	vadd.f32 v19, v9;
	v7 =	vadd.f32 v26, v7;
	v19 =	vmul.f32 v20, v20;
	v22 =	vld [tilespmem:s23+$0xB0]  }
0x1ab: {  	v8 =	vadd.f32 v23, v8;
	v6 =	vadd.f32 v17, v6;
	v17 =	vld [tilespmem:s23+$0xFFFFFF40];
	v23 =	vmul.f32 v24, v24  }
0x1ac: {  	v9 =	vadd.f32 v20, v9;
	v25 =	vld [tilespmem:s23+$0xFFFFFF50];
	v7 =	vadd.f32 v19, v7;
	v19 =	vmul.f32 v21, v21  }
0x1ad: {  	v8 =	vadd.f32 v24, v8;
	v6 =	vadd.f32 v23, v6;
	v23 =	vld [tilespmem:s23+$0xFFFFFFC0];
	v20 =	vmul.f32 v27, v27  }
0x1ae: {  	v9 =	vadd.f32 v21, v9;
	v24 =	vld [tilespmem:s23+$0xFFFFFFD0];
	v7 =	vadd.f32 v19, v7;
	v19 =	vmul.f32 v18, v18  }
0x1af: {  	v8 =	vadd.f32 v27, v8;
	v6 =	vadd.f32 v20, v6;
	v26 =	vld [tilespmem:s23+$0x40];
	v20 =	vmul.f32 v22, v22  }
0x1b0: {  	v9 =	vadd.f32 v18, v9;
	v21 =	vmul.f32 v17, v17;
	v27 =	vld [tilespmem:s23+$0x50];
	v7 =	vadd.f32 v19, v7  }
0x1b1: {  	v8 =	vadd.f32 v22, v8;
	v18 =	vmul.f32 v25, v25;
	v6 =	vadd.f32 v20, v6;
	v19 =	vld [tilespmem:s23+$0xC0]  }
0x1b2: {  	v13 =	vadd.f32 v17, v13;
	v11 =	vadd.f32 v21, v11;
	v17 =	vmul.f32 v23, v23;
	v28 =	vld [tilespmem:s23+$0xD0]  }
0x1b3: {  	v12 =	vadd.f32 v25, v12;
	v10 =	vadd.f32 v18, v10;
	v25 =	vld [tilespmem:s23+$0xFFFFFF60];
	v18 =	vmul.f32 v24, v24  }
0x1b4: {  	s21 =	sadd.s32 $0x4, s21;
	v13 =	vadd.f32 v23, v13;
	v20 =	vld [tilespmem:s23+$0xFFFFFF70];
	v11 =	vadd.f32 v17, v11;
	v17 =	vmul.f32 v26, v26  }
0x1b5: {  	p1 =	slt.u32 s21, $0x60;
	v12 =	vadd.f32 v24, v12;
	v10 =	vadd.f32 v18, v10;
	v23 =	vld [tilespmem:s23+$0xFFFFFFE0];
	v18 =	vmul.f32 v27, v27  }
.Ltmp3:
0x1b6: {  	v13 =	vadd.f32 v26, v13;
	v21 =	vld [tilespmem:s23+$0xFFFFFFF0];
	v11 =	vadd.f32 v17, v11;
	v17 =	vmul.f32 v19, v19;
	(pc) =	sbr.rel @p1 .LBB2_9-.Ltmp3, $4  }
0x1b7: {  	v12 =	vadd.f32 v27, v12;
	v10 =	vadd.f32 v18, v10;
	v22 =	vld [tilespmem:s23+$0x60];
	v26 =	vmul.f32 v28, v28  }
0x1b8: {  	v13 =	vadd.f32 v19, v13;
	v27 =	vmul.f32 v25, v25;
	v18 =	vld [tilespmem:s23+$0x70];
	v11 =	vadd.f32 v17, v11  }
0x1b9: {  	v12 =	vadd.f32 v28, v12;
	v24 =	vmul.f32 v20, v20;
	v10 =	vadd.f32 v26, v10;
	v19 =	vld [tilespmem:s23+$0xE0]  }
0x1ba: {  	v25 =	vadd.f32 v25, v15;
	v15 =	vadd.f32 v27, v16;
	v16 =	vmul.f32 v23, v23;
	v17 =	vld [tilespmem:s23+$0xF0];
	s23 =	sadd.s32 $0x200, s23  }
0x1bb: {  	v1 =	vadd.f32 v20, v1;
	v14 =	vadd.f32 v24, v14  }
0x1bc: {  	v44 =	vmul.f32 v21, v21;
	v4 =	vmul.f32 v4, v4;
	v2 =	vadd.f32 v3, v2  }
0x1bd: {  	v5 =	vmul.f32 v5, v5;
	v23 =	vadd.f32 v23, v25;
	v15 =	vadd.f32 v16, v15  }
0x1be: {  	v3 =	vld [tilespmem:$0x14370];
	v45 =	vmul.f32 v22, v22;
	v1 =	vadd.f32 v21, v1;
	v14 =	vadd.f32 v44, v14  }
0x1bf: {  	v46 =	vmul.f32 v9, v9;
	v50 =	vld [tilespmem:$0x14380];
	v4 =	vadd.f32 v5, v4;
	v2 =	vadd.f32 v7, v2  }
0x1c0: {  	v47 =	vmul.f32 v18, v18;
	v48 =	vadd.f32 v22, v23;
	v15 =	vadd.f32 v45, v15  }
0x1c1: {  	v49 =	vmul.f32 v8, v8;
	v54 =	vld [tilespmem:$0x14390];
	v4 =	vadd.f32 v46, v4;
	v1 =	vadd.f32 v18, v1  }
0x1c2: {  	v51 =	vmul.f32 v19, v19;
	v52 =	vadd.f32 v47, v14;
	v2 =	vadd.f32 v6, v2  }
0x1c3: {  	v53 =	vmul.f32 v13, v13;
	v58 =	vld [tilespmem:$0x143A0];
	v55 =	vadd.f32 v19, v48;
	v4 =	vadd.f32 v49, v4  }
0x1c4: {  	v56 =	vadd.f32 v51, v15;
	v3 =	vadd.f32 v50, v3  }
0x1c5: {  	v57 =	vmul.f32 v12, v12;
	v61 =	vld [tilespmem:$0x143B0];
	v2 =	vadd.f32 v11, v2;
	v4 =	vadd.f32 v53, v4  }
0x1c6: {  	v59 =	vmul.f32 v17, v17;
	v1 =	vadd.f32 v17, v1;
	v3 =	vadd.f32 v54, v3  }
0x1c7: {  	v60 =	vmul.f32 v55, v55;
	v2 =	vadd.f32 v10, v2;
	v4 =	vadd.f32 v57, v4  }
0x1c8: {  	v62 =	vld [tilespmem:$0x143C0];
	v7 =	vadd.f32 v59, v52;
	v3 =	vadd.f32 v58, v3  }
0x1c9: {  	v1 =	vmul.f32 v1, v1;
	v2 =	vadd.f32 v56, v2;
	v4 =	vadd.f32 v60, v4  }
0x1ca: {  	v63 =	vld [tilespmem:$0x143D0];
	v3 =	vadd.f32 v61, v3  }
0x1cb: {  	v2 =	vadd.f32 v7, v2;
	v1 =	vadd.f32 v1, v4;
	_ =	sdelay $0x1  }
0x1cc: {  	v3 =	vadd.f32 v62, v3;
	v1 =	vsub.f32 v1, v2;
	_ =	sdelay $0x1  }
0x1cd: {  	v2 =	vadd.f32 v63, v3;
	v1 =	vmul.f32 $5.000000000e-01, v1;
	_ =	sdelay $0x1  }
0x1ce: {  	v1 =	vadd.f32 v2, v1;
	_ =	sdelay $0x1  }
0x1cf: {  	(xrf2) =	vadd.scan.msk.f32 $0xffff, v1;
	_ =	sdelay $0x6  }
0x1d0: {  	s22 =	sadd.s32 $0x1, s22  }
0x1d1: {  	p1 =	sne.s32 s22, $0x20;
	v1 =	vmov s24  }
.Ltmp4:
0x1d2: {  	_ = 	snop;
	(pc) =	sbr.rel @p1 .LBB2_2-.Ltmp4, $3  }
0x1d3: {  	v2, _, _ =	vpop (xrf2)  }
0x1d4: {  	v2 =	vbroadcast v2, $0xF;
	_ =	sdelay $0x1  }
0x1d5: {  	[tilespmem:v1+s0+$0x0] =	vst.idx.msk $0x1, v2  }
0x1d6: {  	v1 =	vld [tilespmem:$0x4080];
	_ =	sdelay $0x1  }
0x1d7: {  	v2 =	vld [tilespmem:$0x4000];
	_ =	sdelay $0x2  }
0x1d8: {  	v3 =	vbroadcast v1, $0x0;
	_ =	sdelay $0x1  }
0x1d9: {  	v1 =	vbroadcast v1, $0x8;
	v2 =	vmul.f32 v3, v2;
	_ =	sdelay $0x1  }
0x1da: {  	v2 =	vadd.f32 v2, v1;
	_ =	sdelay $0x1  }
0x1db: {  	v2 =	vsub.f32 $0.0e+00, v2;
	_ =	sdelay $0x1  }
0x1dc: {  	v2 =	vmul.f32 $1.442695020e+00, v2;
	_ =	sdelay $0x1  }
0x1dd: {  	(erf) = vpow2.f32 v2;
	v2 =	vld [tilespmem:$0x4010];
	_ =	sdelay $0x4  }
0x1de: {  	v2 =	vmul.f32 v2, v3;
	_ =	sdelay $0x1  }
0x1df: {  	v2 =	vadd.f32 v2, v1;
	_ =	sdelay $0x1  }
0x1e0: {  	v4 =	vpop (erf);
	v2 =	vsub.f32 $0.0e+00, v2  }
0x1e1: {  	v4 =	vadd.f32 $1.000000000e+00, v4  }
0x1e2: {  	v2 =	vmul.f32 $1.442695020e+00, v2  }
0x1e3: {  	(erf) = vrcp.f32 v4  }
0x1e4: {  	(erf) = vpow2.f32 v2;
	v2 =	vld [tilespmem:$0x4020];
	_ =	sdelay $0x4  }
0x1e5: {  	v2 =	vmul.f32 v2, v3;
	_ =	sdelay $0x1  }
0x1e6: {  	v2 =	vadd.f32 v2, v1  }
0x1e7: {  	v4 =	vpop (erf)  }
0x1e8: {  	v5 =	vpop (erf);
	v2 =	vsub.f32 $0.0e+00, v2  }
0x1e9: {  	v5 =	vadd.f32 $1.000000000e+00, v5  }
0x1ea: {  	v2 =	vmul.f32 $1.442695020e+00, v2  }
0x1eb: {  	(erf) = vrcp.f32 v5  }
0x1ec: {  	(erf) = vpow2.f32 v2;
	v2 =	vld [tilespmem:$0x4030];
	_ =	sdelay $0x4  }
0x1ed: {  	v2 =	vmul.f32 v2, v3;
	_ =	sdelay $0x1  }
0x1ee: {  	v2 =	vadd.f32 v2, v1  }
0x1ef: {  	v5 =	vpop (erf)  }
0x1f0: {  	v6 =	vpop (erf);
	v2 =	vsub.f32 $0.0e+00, v2  }
0x1f1: {  	v6 =	vadd.f32 $1.000000000e+00, v6  }
0x1f2: {  	v2 =	vmul.f32 $1.442695020e+00, v2  }
0x1f3: {  	(erf) = vrcp.f32 v6  }
0x1f4: {  	(erf) = vpow2.f32 v2;
	v2 =	vld [tilespmem:$0x4040];
	_ =	sdelay $0x4  }
0x1f5: {  	v2 =	vmul.f32 v2, v3;
	_ =	sdelay $0x1  }
0x1f6: {  	v2 =	vadd.f32 v2, v1  }
0x1f7: {  	v6 =	vpop (erf)  }
0x1f8: {  	v7 =	vpop (erf);
	v2 =	vsub.f32 $0.0e+00, v2  }
0x1f9: {  	v7 =	vadd.f32 $1.000000000e+00, v7  }
0x1fa: {  	v2 =	vmul.f32 $1.442695020e+00, v2  }
0x1fb: {  	(erf) = vrcp.f32 v7  }
0x1fc: {  	(erf) = vpow2.f32 v2;
	v2 =	vld [tilespmem:$0x4050];
	_ =	sdelay $0x4  }
0x1fd: {  	v2 =	vmul.f32 v2, v3;
	_ =	sdelay $0x1  }
0x1fe: {  	v2 =	vadd.f32 v2, v1  }
0x1ff: {  	v7 =	vpop (erf)  }
0x200: {  	v8 =	vpop (erf);
	v2 =	vsub.f32 $0.0e+00, v2  }
0x201: {  	v8 =	vadd.f32 $1.000000000e+00, v8  }
0x202: {  	v2 =	vmul.f32 $1.442695020e+00, v2  }
0x203: {  	(erf) = vrcp.f32 v8  }
0x204: {  	(erf) = vpow2.f32 v2;
	v2 =	vld [tilespmem:$0x4060];
	_ =	sdelay $0x4  }
0x205: {  	v2 =	vmul.f32 v2, v3;
	_ =	sdelay $0x1  }
0x206: {  	v2 =	vadd.f32 v2, v1  }
0x207: {  	v8 =	vpop (erf)  }
0x208: {  	v9 =	vpop (erf);
	v2 =	vsub.f32 $0.0e+00, v2  }
0x209: {  	v9 =	vadd.f32 $1.000000000e+00, v9  }
0x20a: {  	v2 =	vmul.f32 $1.442695020e+00, v2  }
0x20b: {  	(erf) = vrcp.f32 v9  }
0x20c: {  	(erf) = vpow2.f32 v2;
	v2 =	vld [tilespmem:$0x4070];
	_ =	sdelay $0x4  }
0x20d: {  	v2 =	vmul.f32 v2, v3;
	_ =	sdelay $0x2  }
0x20e: {  	v1 =	vadd.f32 v2, v1  }
0x20f: {  	v2 =	vpop (erf)  }
0x210: {  	v1 =	vsub.f32 $0.0e+00, v1;
	v3 =	vpop (erf)  }
0x211: {  	v3 =	vadd.f32 $1.000000000e+00, v3  }
0x212: {  	v1 =	vmul.f32 $1.442695020e+00, v1  }
0x213: {  	(erf) = vrcp.f32 v3  }
0x214: {  	(erf) = vpow2.f32 v1;
	_ =	sdelay $0x7  }
0x215: {  	v1 =	vpop (erf)  }
0x216: {  	v3 =	vpop (erf)  }
0x217: {  	v3 =	vadd.f32 $1.000000000e+00, v3;
	_ =	sdelay $0x1  }
0x218: {  	(erf) = vrcp.f32 v3;
	_ =	sdelay $0x2  }
0x219: {  	[tilespmem:$0x4000] =	vst v4  }
0x21a: {  	[tilespmem:$0x4010] =	vst v5  }
0x21b: {  	[tilespmem:$0x4020] =	vst v6  }
0x21c: {  	[tilespmem:$0x4030] =	vst v7  }
0x21d: {  	[tilespmem:$0x4040] =	vst v8  }
0x21e: {  	s20 =	sadd.s32 $0x1, s20;
	[tilespmem:$0x4050] =	vst v2  }
0x21f: {  	p1 =	sne.s32 s20, s13;
	[tilespmem:$0x4060] =	vst v1;
	v1 =	vpop (erf)  }
.Ltmp5:
0x220: {  	[tilespmem:$0x4070] =	vst v1;
	(pc) =	sbr.rel @p1 .LBB2_1-.Ltmp5, $4  }
0x221: {  	[hbm4b:s12+s6] =	stream.linear.scatter [tilespmem:s0], [sflag:$0x9], $0x80, $0x38;
	[tilespmem:$0x143F0] =	vst v63  }
0x222: {  	_ =	swait.ge [sflag:s15], $0x80  }
0x223: {  	[sflag:s15] =	ssyncset.done $0x0  }
0x224: {  	[sflag:s15] =	ssyncadd.s32 $0xFFFFFF80  }
0x225: {  	_ =	sfence.sel $0x180000  }
0x226: {  	[bflag:$0x0] =	sbarrier.arrive $0xFFFF  }
0x227: {  	_ =	strace $0x90000047  }
0x228: {  	s0 =	stileid.u32;
	[bflag:$0x2] =	sbarrier.arrive $0xFFFF  }
0x229: {  	p0 =	sne.s32 s0, $0x0;
	s0 =	rddreg [dreg:$0x6]  }
0x22a: {  	s0 =	sadd.s32 @!p0 $0x100000, s0  }
0x22b: {  	[sflag:s0] =	ssyncadd.tile.s32 @!p0 $0x1;
	_ =	shalt  }
.Lfunc_end2:
_tile_overlayer_lowered:
.L_overlay_start_2:
0x22c: {  	(tag) =	ssettag $0x2  }
0x22d: {  	s0 =	rddreg [dreg:$0x0];
	s2 =	stileid.u32  }
0x22e: {  	s1 =	rddreg [dreg:$0x1];
	p0 =	sne.s32 s2, $0x0  }
0x22f: {  	s3 =	rddreg [dreg:$0x2];
	[bflag:$0x3] =	sbarrier.arrive $0xFFFF;
	s2 =	simm.s32 @!p0 $0x1C09  }
0x230: {  	[timem:s3], [sflag:s2] =	dma.local @!p0 [hbm:s0], s1  }
0x231: {  	s0 =	simm.s32 @!p0 $0x9  }
0x232: {  	_ =	swait.ge @!p0 [sflag:s0], s1  }
0x233: {  	s1 =	ssub.s32 @!p0 $0x0, s1;
	[sflag:s0] =	ssyncset.done @!p0 $0x0  }
0x234: {  	[sflag:s0] =	ssyncadd.s32 @!p0 s1  }
0x235: {  	[bflag:$0x3] =	sbarrier.arrive $0xFFFF  }
0x236: {  	_ =	shalt  }

</sc_bundles>
